<compile_context>
chip_gen: v7x
topology: tpu7x:2x2x1
jax: 0.10.2.dev20260603
libtpu: 0.0.44.dev20260713+nightly
codegen_flags: <defaults>
</compile_context>

<pallas_src>
import functools

import jax
import jax.numpy as jnp
from jax import lax
from jax.experimental import pallas as pl
from jax.experimental.pallas import tpu as pltpu
from jax.experimental.pallas import tpu_sc as plsc

N = 10000
HID = 128
T = 320000

NC = 2
NS = 16
NW = NC * NS
CHUNK = 128
NCHUNK = T // CHUNK
BLK = 8
CH_SPAN = 80
PADC = NW * CH_SPAN
ROWS_PER_TILE = 624
TAIL_ROWS = N - NS * ROWS_PER_TILE


def _mlps_body(x_ref, w11, b11, w12, b12, w21, b21, w22, b22, m1_ref, m2_ref):
    x = x_ref[...]
    h1 = jnp.maximum(jnp.dot(x, w11[...], preferred_element_type=jnp.float32)
                     + b11[...], 0.0)
    m1_ref[...] = (jnp.dot(h1, w12[...], preferred_element_type=jnp.float32)
                   + b12[...]).astype(jnp.bfloat16)
    h2 = jnp.maximum(jnp.dot(x, w21[...], preferred_element_type=jnp.float32)
                     + b21[...], 0.0)
    m2_ref[...] = (jnp.dot(h2, w22[...], preferred_element_type=jnp.float32)
                   + b22[...]).astype(jnp.bfloat16)


def _run_mlps(x, w11, b11, w12, b12, w21, b21, w22, b22):
    rb = 1000
    full = lambda a: pl.BlockSpec(a.shape, lambda i: (0,) * a.ndim)
    return pl.pallas_call(
        _mlps_body,
        grid=(N // rb,),
        in_specs=[pl.BlockSpec((rb, HID), lambda i: (i, 0)),
                  full(w11), full(b11), full(w12), full(b12),
                  full(w21), full(b21), full(w22), full(b22)],
        out_specs=[pl.BlockSpec((rb, HID), lambda i: (i, 0)),
                   pl.BlockSpec((rb, HID), lambda i: (i, 0))],
        out_shape=[jax.ShapeDtypeStruct((N, HID), jnp.bfloat16),
                   jax.ShapeDtypeStruct((N, HID), jnp.bfloat16)],
    )(x, w11, b11, w12, b12, w21, b21, w22, b22)


def _sc_body(m1_hbm, m2_hbm, ti0_hbm, ti1_hbm, ti2_hbm, zeros_hbm, out_hbm,
             i0_v, i1_v, i2_v, rows1_v, rows2_v, prod_v, acc_sh, gsem, ssem):
    c = lax.axis_index("c")
    s = lax.axis_index("s")
    wid = s * NC + c

    pltpu.sync_copy(zeros_hbm.at[pl.ds(0, ROWS_PER_TILE)],
                    acc_sh.at[pl.ds(s * ROWS_PER_TILE, ROWS_PER_TILE)])

    @pl.when(s == NS - 1)
    def _():
        pltpu.sync_copy(zeros_hbm.at[pl.ds(0, TAIL_ROWS)],
                        acc_sh.at[pl.ds(NS * ROWS_PER_TILE, TAIL_ROWS)])

    plsc.subcore_barrier()

    start = wid * CH_SPAN
    cnt = jnp.clip(NCHUNK - start, 0, CH_SPAN)

    def i2_row(k):
        return i2_v.at[(k // BLK) & 1, k & (BLK - 1)]

    def load_idx(k):
        blk1 = pl.ds(pl.multiple_of((start + k) * CHUNK, 8), BLK * CHUNK)
        pltpu.sync_copy(ti0_hbm.at[blk1], i0_v)
        pltpu.sync_copy(ti1_hbm.at[blk1], i1_v)
        blk2 = pl.ds(pl.multiple_of(start + k, BLK), BLK)
        pltpu.sync_copy(ti2_hbm.at[blk2], i2_v.at[(k // BLK) & 1])

    def fire_gathers(k):
        par = k & 1
        sl8 = pl.ds((k & (BLK - 1)) * CHUNK, CHUNK)
        pltpu.async_copy(m1_hbm.at[i0_v.at[sl8]], rows1_v.at[par], gsem.at[par])
        pltpu.async_copy(m2_hbm.at[i1_v.at[sl8]], rows2_v.at[par], gsem.at[par])

    def wait_gathers(k):
        par = k & 1
        sl8 = pl.ds((k & (BLK - 1)) * CHUNK, CHUNK)
        pltpu.make_async_copy(m1_hbm.at[i0_v.at[sl8]], rows1_v.at[par],
                              gsem.at[par]).wait()
        pltpu.make_async_copy(m2_hbm.at[i1_v.at[sl8]], rows2_v.at[par],
                              gsem.at[par]).wait()

    def wait_scatter(k):
        pltpu.make_async_copy(prod_v.at[k & 1], acc_sh.at[i2_row(k)],
                              ssem.at[k & 1]).wait()

    load_idx(0)
    fire_gathers(0)

    def step(k, carry):
        kk = k + 1
        in_rng = kk < cnt
        bnd8 = (kk & (BLK - 1)) == 0

        @pl.when(in_rng)
        def _():
            @pl.when(bnd8)
            def _():
                wait_gathers(k)
                load_idx(kk)

            fire_gathers(kk)

        @pl.when(jnp.logical_not(jnp.logical_and(in_rng, bnd8)))
        def _():
            wait_gathers(k)

        @pl.when(k >= 2)
        def _():
            wait_scatter(k - 2)

        par = k & 1

        @plsc.parallel_loop(0, CHUNK, 1, unroll=8)
        def mul_row(r):
            for cc in range(HID // 32):
                sl = pl.ds(cc * 32, 32)
                prod_v[par, r, sl] = rows1_v[par, r, sl] * rows2_v[par, r, sl]

        pltpu.async_copy(prod_v.at[par], acc_sh.at[i2_row(k)],
                         ssem.at[par], add=True)
        return carry

    lax.fori_loop(0, cnt, step, 0)
    wait_scatter(cnt - 2)
    wait_scatter(cnt - 1)

    plsc.subcore_barrier()
    sl = pl.ds(s * ROWS_PER_TILE, ROWS_PER_TILE)
    pltpu.sync_copy(acc_sh.at[sl], out_hbm.at[c, sl])

    @pl.when(s == NS - 1)
    def _():
        tl = pl.ds(NS * ROWS_PER_TILE, TAIL_ROWS)
        pltpu.sync_copy(acc_sh.at[tl], out_hbm.at[c, tl])


def _run_sc(m1, m2, ti0, ti1, ti2, zeros):
    mesh = plsc.VectorSubcoreMesh(core_axis_name="c", subcore_axis_name="s")
    f = pl.kernel(
        _sc_body,
        out_type=jax.ShapeDtypeStruct((NC, N, HID), jnp.bfloat16),
        mesh=mesh,
        compiler_params=pltpu.CompilerParams(use_tc_tiling_on_sc=False),
        scratch_types=[
            pltpu.VMEM((BLK * CHUNK,), jnp.int32),
            pltpu.VMEM((BLK * CHUNK,), jnp.int32),
            pltpu.VMEM((2, BLK, CHUNK), jnp.int32),
            pltpu.VMEM((2, CHUNK, HID), jnp.bfloat16),
            pltpu.VMEM((2, CHUNK, HID), jnp.bfloat16),
            pltpu.VMEM((2, CHUNK, HID), jnp.bfloat16),
            pltpu.VMEM_SHARED((N, HID), jnp.bfloat16),
            pltpu.SemaphoreType.DMA((2,)),
            pltpu.SemaphoreType.DMA((2,)),
        ],
    )
    return f(m1, m2, ti0, ti1, ti2, zeros)


def _final_body(x_ref, p_ref, nf_ref, w1x, w1m, b1, w2, b2, out_ref):
    m = (p_ref[0].astype(jnp.float32) + p_ref[1].astype(jnp.float32)) * nf_ref[...]
    h = jnp.maximum(
        jnp.dot(x_ref[...], w1x[...], preferred_element_type=jnp.float32)
        + jnp.dot(m, w1m[...], preferred_element_type=jnp.float32)
        + b1[...], 0.0)
    out_ref[...] = jnp.dot(h, w2[...], preferred_element_type=jnp.float32) + b2[...]


def _run_final(x, partials, nf, w1x, w1m, b1, w2, b2):
    rb = 1000
    full = lambda a: pl.BlockSpec(a.shape, lambda i: (0,) * a.ndim)
    return pl.pallas_call(
        _final_body,
        grid=(N // rb,),
        in_specs=[pl.BlockSpec((rb, HID), lambda i: (i, 0)),
                  pl.BlockSpec((NC, rb, HID), lambda i: (0, i, 0)),
                  pl.BlockSpec((rb, 1), lambda i: (i, 0)),
                  full(w1x), full(w1m), full(b1), full(w2), full(b2)],
        out_specs=pl.BlockSpec((rb, HID), lambda i: (i, 0)),
        out_shape=jax.ShapeDtypeStruct((N, HID), jnp.float32),
    )(x, partials, nf, w1x, w1m, b1, w2, b2)


def kernel(x, triangle_index, norm_factor,
           m1_W1, m1_b1, m1_W2, m1_b2,
           m2_W1, m2_b1, m2_W2, m2_b2,
           m3_W1, m3_b1, m3_W2, m3_b2):
    ti = triangle_index.astype(jnp.int32)
    m1, m2 = _run_mlps(x,
                       m1_W1, m1_b1.reshape(1, HID), m1_W2, m1_b2.reshape(1, HID),
                       m2_W1, m2_b1.reshape(1, HID), m2_W2, m2_b2.reshape(1, HID))
    zeros = jnp.zeros((ROWS_PER_TILE, HID), jnp.bfloat16)
    ti0 = jnp.pad(ti[0], (0, (PADC - NCHUNK) * CHUNK))
    ti1 = jnp.pad(ti[1], (0, (PADC - NCHUNK) * CHUNK))
    ti2 = jnp.pad(ti[2].reshape(NCHUNK, CHUNK), ((0, PADC - NCHUNK), (0, 0)))
    partials = _run_sc(m1, m2, ti0, ti1, ti2, zeros)
    out = _run_final(x, partials, norm_factor.reshape(N, 1),
                     m3_W1[:HID], m3_W1[HID:],
                     m3_b1.reshape(1, HID), m3_W2, m3_b2.reshape(1, HID))
    return out

# --- scband reference (transcript-rebuilt; emitter-appended) ---
"""Pipeline reference for scband-sparse-ppgnlayer-4380866642583 (READ-ONLY COPY).

The authoritative reference and input builder live on the scoring server;
editing this copy changes nothing except your own understanding.
"""

import jax, jax.numpy as jnp
import numpy as np

HID = 128
PPGN = 128
N = 10000
T = 320000


def _mlp(x, W1, b1, W2, b2):
    # MLP(in_features, hidden_features=[h1, h2]) -> Linear(in,h1) + ReLU + Linear(h1,h2)
    h = jax.nn.relu(x @ W1 + b1)
    return h @ W2 + b2


def setup_inputs(seed: int = 0) -> dict:
    key = jax.random.key(seed)
    ks = jax.random.split(key, 16)
    x = jax.random.normal(ks[0], (N, HID), dtype=jnp.float32)
    triangle_index = jax.random.randint(ks[1], (3, T), 0, N, dtype=jnp.int64)
    norm_factor = jax.random.uniform(ks[2], (N,), dtype=jnp.float32)

    def lin(k, fan_in, fan_out):
        kw, kb = jax.random.split(k)
        s = 1.0 / np.sqrt(fan_in)
        W = jax.random.uniform(kw, (fan_in, fan_out), minval=-s, maxval=s, dtype=jnp.float32)
        b = jax.random.uniform(kb, (fan_out,), minval=-s, maxval=s, dtype=jnp.float32)
        return W, b

    m1_W1, m1_b1 = lin(ks[3], HID, HID)
    m1_W2, m1_b2 = lin(ks[4], HID, PPGN)
    m2_W1, m2_b1 = lin(ks[5], HID, HID)
    m2_W2, m2_b2 = lin(ks[6], HID, PPGN)
    m3_W1, m3_b1 = lin(ks[7], HID + PPGN, HID)
    m3_W2, m3_b2 = lin(ks[8], HID, HID)

    return {
        "x": x, "triangle_index": triangle_index, "norm_factor": norm_factor,
        "m1_W1": m1_W1, "m1_b1": m1_b1, "m1_W2": m1_W2, "m1_b2": m1_b2,
        "m2_W1": m2_W1, "m2_b1": m2_b1, "m2_W2": m2_W2, "m2_b2": m2_b2,
        "m3_W1": m3_W1, "m3_b1": m3_b1, "m3_W2": m3_W2, "m3_b2": m3_b2,
    }


def reference(x, triangle_index, norm_factor,
              m1_W1, m1_b1, m1_W2, m1_b2,
              m2_W1, m2_b1, m2_W2, m2_b2,
              m3_W1, m3_b1, m3_W2, m3_b2):
    m1 = _mlp(x, m1_W1, m1_b1, m1_W2, m1_b2)
    m2 = _mlp(x, m2_W1, m2_b1, m2_W2, m2_b2)
    prod = jnp.take(m1, triangle_index[0], axis=0) * jnp.take(m2, triangle_index[1], axis=0)
    m = jax.ops.segment_sum(prod, triangle_index[2], num_segments=x.shape[0])
    m = m * norm_factor[:, None]
    out = _mlp(jnp.concatenate([x, m], axis=-1), m3_W1, m3_b1, m3_W2, m3_b2)
    return out

if __name__ == "__main__":
    import jax
    _d = setup_inputs()
    print(jax.jit(kernel)(*tuple(_d.values())))

</pallas_src>

<mosaic_0001>
#map = affine_map<(d0, d1) -> (0, 0)>
#map1 = affine_map<(d0, d1) -> (0)>
#map2 = affine_map<(d0, d1) -> (0, 0, 0)>
module attributes {stable_mosaic.version = 14 : i64} {
  func.func @_sc_body(%arg0: i32, %arg1: i32, %arg2: memref<10000x128xbf16, #tpu.memory_space<hbm>>, %arg3: memref<10000x128xbf16, #tpu.memory_space<hbm>>, %arg4: memref<327680xi32, #tpu.memory_space<hbm>>, %arg5: memref<327680xi32, #tpu.memory_space<hbm>>, %arg6: memref<2560x128xi32, #tpu.memory_space<hbm>>, %arg7: memref<624x128xbf16, #tpu.memory_space<hbm>>, %arg8: memref<2x10000x128xbf16, #tpu.memory_space<hbm>>, %arg9: memref<1024xi32, #tpu.memory_space<vmem>>, %arg10: memref<1024xi32, #tpu.memory_space<vmem>>, %arg11: memref<2x8x128xi32, #tpu.memory_space<vmem>>, %arg12: memref<2x128x128xbf16, #tpu.memory_space<vmem>>, %arg13: memref<2x128x128xbf16, #tpu.memory_space<vmem>>, %arg14: memref<2x128x128xbf16, #tpu.memory_space<vmem>>, %arg15: memref<10000x128xbf16, #tpu.memory_space<vmem_shared>>, %arg16: memref<2x!tpu.dma_semaphore, #tpu.memory_space<semaphore_mem>>, %arg17: memref<2x!tpu.dma_semaphore, #tpu.memory_space<semaphore_mem>>) attributes {dimension_semantics = [#tpu.dimension_semantics<core_parallel>, #tpu.dimension_semantics<subcore_parallel>], iteration_bounds = array<i64: 2, 16>, scalar_prefetch = 0 : i64, scratch_operands = 9 : i64, tpu.core_type = #tpu.core_type<sc_vector_subcore>, window_params = [{transform_indices = #map}, {transform_indices = #map}, {transform_indices = #map1}, {transform_indices = #map1}, {transform_indices = #map}, {transform_indices = #map}, {transform_indices = #map2}]} {
    %mul3A = arith.constant 2 : i32
    %mul3A_0 = arith.muli %arg1, %mul3A : i32
    %add3A = arith.addi %mul3A_0, %arg0 : i32
    %mul3A_1 = arith.constant 624 : i32
    %mul3A_2 = arith.muli %arg1, %mul3A_1 : i32
    "tpu.region"() ({
      %run_scoped3A_143 = tpu.sem_alloc : memref<!tpu.dma_semaphore, #tpu.memory_space<semaphore_mem>>
      %dma_start3A_144 = arith.constant 0 : i32
      %dma_start3A_145 = tpu.memref_slice %arg15[%mul3A_2, %dma_start3A_144] : memref<10000x128xbf16, #tpu.memory_space<vmem_shared>> -> memref<624x128xbf16, #tpu.memory_space<vmem_shared>>
      %dma_start3A_146 = arith.constant 0 : i32
      %dma_start3A_147 = arith.constant 0 : i32
      %dma_start3A_148 = tpu.memref_slice %arg7[%dma_start3A_146, %dma_start3A_147] : memref<624x128xbf16, #tpu.memory_space<hbm>> -> memref<624x128xbf16, #tpu.memory_space<hbm>>
      tpu.enqueue_dma source(%dma_start3A_148 : memref<624x128xbf16, #tpu.memory_space<hbm>>) target(%dma_start3A_145 : memref<624x128xbf16, #tpu.memory_space<vmem_shared>>) target_semaphore(%run_scoped3A_143 : memref<!tpu.dma_semaphore, #tpu.memory_space<semaphore_mem>>)
      %dma_wait3A_149 = arith.constant 0 : i32
      %dma_wait3A_150 = tpu.memref_slice %arg15[%mul3A_2, %dma_wait3A_149] : memref<10000x128xbf16, #tpu.memory_space<vmem_shared>> -> memref<624x128xbf16, #tpu.memory_space<vmem_shared>>
      %dma_wait3A_151 = arith.constant 0 : i32
      %dma_wait3A_152 = arith.constant 0 : i32
      %dma_wait3A_153 = tpu.memref_slice %arg7[%dma_wait3A_151, %dma_wait3A_152] : memref<624x128xbf16, #tpu.memory_space<hbm>> -> memref<624x128xbf16, #tpu.memory_space<hbm>>
      tpu.wait_dma2 semaphore(%run_scoped3A_143 : memref<!tpu.dma_semaphore, #tpu.memory_space<semaphore_mem>>) src(%dma_wait3A_153 : memref<624x128xbf16, #tpu.memory_space<hbm>>) dst(%dma_wait3A_150 : memref<624x128xbf16, #tpu.memory_space<vmem_shared>>)
      tpu.yield
    }) : () -> ()
    %eq3A = arith.constant 15 : i32
    %eq3A_3 = arith.cmpi eq, %arg1, %eq3A : i32
    %convert_element_type3A = arith.extui %eq3A_3 : i1 to i32
    %cond3A = arith.constant 0 : i32
    %cond3A_4 = arith.cmpi ne, %convert_element_type3A, %cond3A : i32
    scf.if %cond3A_4 {
      "tpu.region"() ({
        %run_scoped3A_143 = tpu.sem_alloc : memref<!tpu.dma_semaphore, #tpu.memory_space<semaphore_mem>>
        %dma_start3A_144 = arith.constant 9984 : i32
        %dma_start3A_145 = arith.constant 0 : i32
        %dma_start3A_146 = tpu.memref_slice %arg15[%dma_start3A_144, %dma_start3A_145] : memref<10000x128xbf16, #tpu.memory_space<vmem_shared>> -> memref<16x128xbf16, #tpu.memory_space<vmem_shared>>
        %dma_start3A_147 = arith.constant 0 : i32
        %dma_start3A_148 = arith.constant 0 : i32
        %dma_start3A_149 = tpu.memref_slice %arg7[%dma_start3A_147, %dma_start3A_148] : memref<624x128xbf16, #tpu.memory_space<hbm>> -> memref<16x128xbf16, #tpu.memory_space<hbm>>
        tpu.enqueue_dma source(%dma_start3A_149 : memref<16x128xbf16, #tpu.memory_space<hbm>>) target(%dma_start3A_146 : memref<16x128xbf16, #tpu.memory_space<vmem_shared>>) target_semaphore(%run_scoped3A_143 : memref<!tpu.dma_semaphore, #tpu.memory_space<semaphore_mem>>)
        %dma_wait3A_150 = arith.constant 9984 : i32
        %dma_wait3A_151 = arith.constant 0 : i32
        %dma_wait3A_152 = tpu.memref_slice %arg15[%dma_wait3A_150, %dma_wait3A_151] : memref<10000x128xbf16, #tpu.memory_space<vmem_shared>> -> memref<16x128xbf16, #tpu.memory_space<vmem_shared>>
        %dma_wait3A_153 = arith.constant 0 : i32
        %dma_wait3A_154 = arith.constant 0 : i32
        %dma_wait3A_155 = tpu.memref_slice %arg7[%dma_wait3A_153, %dma_wait3A_154] : memref<624x128xbf16, #tpu.memory_space<hbm>> -> memref<16x128xbf16, #tpu.memory_space<hbm>>
        tpu.wait_dma2 semaphore(%run_scoped3A_143 : memref<!tpu.dma_semaphore, #tpu.memory_space<semaphore_mem>>) src(%dma_wait3A_155 : memref<16x128xbf16, #tpu.memory_space<hbm>>) dst(%dma_wait3A_152 : memref<16x128xbf16, #tpu.memory_space<vmem_shared>>)
        tpu.yield
      }) : () -> ()
    } else {
    }
    %barrier3A = arith.constant 0 : index
    tpu.barrier barrier_id(%barrier3A)
    %mul3A_5 = arith.constant 80 : i32
    %mul3A_6 = arith.muli %add3A, %mul3A_5 : i32
    %sub3A = arith.constant 2500 : i32
    %sub3A_7 = arith.subi %sub3A, %mul3A_6 : i32
    %jit3A = arith.constant 0 : i32
    %jit3A_8 = arith.constant 80 : i32
    %max3A = arith.maxsi %jit3A, %sub3A_7 : i32
    %min3A = arith.minsi %jit3A_8, %max3A : i32
    %add3A_9 = arith.constant 0 : i32
    %add3A_10 = arith.addi %mul3A_6, %add3A_9 : i32
    %mul3A_11 = arith.constant 128 : i32
    %mul3A_12 = arith.muli %add3A_10, %mul3A_11 : i32
    %multiple_of3A = tpu.assume_multiple %mul3A_12, 8 : i32
    "tpu.region"() ({
      %run_scoped3A_143 = tpu.sem_alloc : memref<!tpu.dma_semaphore, #tpu.memory_space<semaphore_mem>>
      %dma_start3A_144 = tpu.memref_slice %arg4[%multiple_of3A] : memref<327680xi32, #tpu.memory_space<hbm>> -> memref<1024xi32, #tpu.memory_space<hbm>>
      %dma_start3A_145 = tpu.memref_slice %arg4[%multiple_of3A] : memref<327680xi32, #tpu.memory_space<hbm>> -> memref<1024xi32, #tpu.memory_space<hbm>>
      tpu.enqueue_dma source(%dma_start3A_145 : memref<1024xi32, #tpu.memory_space<hbm>>) target(%arg9 : memref<1024xi32, #tpu.memory_space<vmem>>) target_semaphore(%run_scoped3A_143 : memref<!tpu.dma_semaphore, #tpu.memory_space<semaphore_mem>>)
      %dma_wait3A_146 = tpu.memref_slice %arg4[%multiple_of3A] : memref<327680xi32, #tpu.memory_space<hbm>> -> memref<1024xi32, #tpu.memory_space<hbm>>
      %dma_wait3A_147 = tpu.memref_slice %arg4[%multiple_of3A] : memref<327680xi32, #tpu.memory_space<hbm>> -> memref<1024xi32, #tpu.memory_space<hbm>>
      tpu.wait_dma2 semaphore(%run_scoped3A_143 : memref<!tpu.dma_semaphore, #tpu.memory_space<semaphore_mem>>) src(%dma_wait3A_147 : memref<1024xi32, #tpu.memory_space<hbm>>) dst(%arg9 : memref<1024xi32, #tpu.memory_space<vmem>>)
      tpu.yield
    }) : () -> ()
    "tpu.region"() ({
      %run_scoped3A_143 = tpu.sem_alloc : memref<!tpu.dma_semaphore, #tpu.memory_space<semaphore_mem>>
      %dma_start3A_144 = tpu.memref_slice %arg5[%multiple_of3A] : memref<327680xi32, #tpu.memory_space<hbm>> -> memref<1024xi32, #tpu.memory_space<hbm>>
      %dma_start3A_145 = tpu.memref_slice %arg5[%multiple_of3A] : memref<327680xi32, #tpu.memory_space<hbm>> -> memref<1024xi32, #tpu.memory_space<hbm>>
      tpu.enqueue_dma source(%dma_start3A_145 : memref<1024xi32, #tpu.memory_space<hbm>>) target(%arg10 : memref<1024xi32, #tpu.memory_space<vmem>>) target_semaphore(%run_scoped3A_143 : memref<!tpu.dma_semaphore, #tpu.memory_space<semaphore_mem>>)
      %dma_wait3A_146 = tpu.memref_slice %arg5[%multiple_of3A] : memref<327680xi32, #tpu.memory_space<hbm>> -> memref<1024xi32, #tpu.memory_space<hbm>>
      %dma_wait3A_147 = tpu.memref_slice %arg5[%multiple_of3A] : memref<327680xi32, #tpu.memory_space<hbm>> -> memref<1024xi32, #tpu.memory_space<hbm>>
      tpu.wait_dma2 semaphore(%run_scoped3A_143 : memref<!tpu.dma_semaphore, #tpu.memory_space<semaphore_mem>>) src(%dma_wait3A_147 : memref<1024xi32, #tpu.memory_space<hbm>>) dst(%arg10 : memref<1024xi32, #tpu.memory_space<vmem>>)
      tpu.yield
    }) : () -> ()
    %add3A_13 = arith.constant 0 : i32
    %add3A_14 = arith.addi %mul3A_6, %add3A_13 : i32
    %multiple_of3A_15 = tpu.assume_multiple %add3A_14, 8 : i32
    %run_scoped3A = arith.constant 0 : i32
    "tpu.region"() ({
      %run_scoped3A_143 = tpu.sem_alloc : memref<!tpu.dma_semaphore, #tpu.memory_space<semaphore_mem>>
      %dma_start3A_144 = arith.constant 0 : i32
      %dma_start3A_145 = arith.constant 0 : i32
      %dma_start3A_146 = tpu.memref_slice %arg11[%run_scoped3A, %dma_start3A_144, %dma_start3A_145] : memref<2x8x128xi32, #tpu.memory_space<vmem>> -> memref<1x8x128xi32, #tpu.memory_space<vmem>>
      %dma_start3A_147 = tpu.memref_squeeze %dma_start3A_146 : memref<1x8x128xi32, #tpu.memory_space<vmem>> -> memref<8x128xi32, #tpu.memory_space<vmem>>
      %dma_start3A_148 = arith.constant 0 : i32
      %dma_start3A_149 = tpu.memref_slice %arg6[%multiple_of3A_15, %dma_start3A_148] : memref<2560x128xi32, #tpu.memory_space<hbm>> -> memref<8x128xi32, #tpu.memory_space<hbm>>
      %dma_start3A_150 = arith.constant 0 : i32
      %dma_start3A_151 = arith.constant 0 : i32
      %dma_start3A_152 = tpu.memref_slice %arg11[%run_scoped3A, %dma_start3A_150, %dma_start3A_151] : memref<2x8x128xi32, #tpu.memory_space<vmem>> -> memref<1x8x128xi32, #tpu.memory_space<vmem>>
      %dma_start3A_153 = tpu.memref_squeeze %dma_start3A_152 : memref<1x8x128xi32, #tpu.memory_space<vmem>> -> memref<8x128xi32, #tpu.memory_space<vmem>>
      %dma_start3A_154 = arith.constant 0 : i32
      %dma_start3A_155 = tpu.memref_slice %arg6[%multiple_of3A_15, %dma_start3A_154] : memref<2560x128xi32, #tpu.memory_space<hbm>> -> memref<8x128xi32, #tpu.memory_space<hbm>>
      tpu.enqueue_dma source(%dma_start3A_155 : memref<8x128xi32, #tpu.memory_space<hbm>>) target(%dma_start3A_153 : memref<8x128xi32, #tpu.memory_space<vmem>>) target_semaphore(%run_scoped3A_143 : memref<!tpu.dma_semaphore, #tpu.memory_space<semaphore_mem>>)
      %dma_wait3A_156 = arith.constant 0 : i32
      %dma_wait3A_157 = arith.constant 0 : i32
      %dma_wait3A_158 = tpu.memref_slice %arg11[%run_scoped3A, %dma_wait3A_156, %dma_wait3A_157] : memref<2x8x128xi32, #tpu.memory_space<vmem>> -> memref<1x8x128xi32, #tpu.memory_space<vmem>>
      %dma_wait3A_159 = tpu.memref_squeeze %dma_wait3A_158 : memref<1x8x128xi32, #tpu.memory_space<vmem>> -> memref<8x128xi32, #tpu.memory_space<vmem>>
      %dma_wait3A_160 = arith.constant 0 : i32
      %dma_wait3A_161 = tpu.memref_slice %arg6[%multiple_of3A_15, %dma_wait3A_160] : memref<2560x128xi32, #tpu.memory_space<hbm>> -> memref<8x128xi32, #tpu.memory_space<hbm>>
      %dma_wait3A_162 = arith.constant 0 : i32
      %dma_wait3A_163 = arith.constant 0 : i32
      %dma_wait3A_164 = tpu.memref_slice %arg11[%run_scoped3A, %dma_wait3A_162, %dma_wait3A_163] : memref<2x8x128xi32, #tpu.memory_space<vmem>> -> memref<1x8x128xi32, #tpu.memory_space<vmem>>
      %dma_wait3A_165 = tpu.memref_squeeze %dma_wait3A_164 : memref<1x8x128xi32, #tpu.memory_space<vmem>> -> memref<8x128xi32, #tpu.memory_space<vmem>>
      %dma_wait3A_166 = arith.constant 0 : i32
      %dma_wait3A_167 = tpu.memref_slice %arg6[%multiple_of3A_15, %dma_wait3A_166] : memref<2560x128xi32, #tpu.memory_space<hbm>> -> memref<8x128xi32, #tpu.memory_space<hbm>>
      tpu.wait_dma2 semaphore(%run_scoped3A_143 : memref<!tpu.dma_semaphore, #tpu.memory_space<semaphore_mem>>) src(%dma_wait3A_167 : memref<8x128xi32, #tpu.memory_space<hbm>>) dst(%dma_wait3A_165 : memref<8x128xi32, #tpu.memory_space<vmem>>)
      tpu.yield
    }) : () -> ()
    %dma_start3A = arith.constant 0 : i32
    %dma_start3A_16 = arith.constant 0 : i32
    %dma_start3A_17 = arith.constant 0 : i32
    %dma_start3A_18 = arith.constant 0 : i32
    %dma_start3A_19 = tpu.memref_slice %arg12[%dma_start3A, %dma_start3A_17, %dma_start3A_18] : memref<2x128x128xbf16, #tpu.memory_space<vmem>> -> memref<1x128x128xbf16, #tpu.memory_space<vmem>>
    %dma_start3A_20 = tpu.memref_squeeze %dma_start3A_19 : memref<1x128x128xbf16, #tpu.memory_space<vmem>> -> memref<128x128xbf16, #tpu.memory_space<vmem>>
    %dma_start3A_21 = arith.constant 0 : i32
    %dma_start3A_22 = tpu.memref_slice %arg9[%dma_start3A_21] : memref<1024xi32, #tpu.memory_space<vmem>> -> memref<128xi32, #tpu.memory_space<vmem>>
    %dma_start3A_23 = arith.constant 0 : i32
    %dma_start3A_24 = arith.constant 0 : i32
    %dma_start3A_25 = tpu.memref_slice %arg2[%dma_start3A_23, %dma_start3A_24] : memref<10000x128xbf16, #tpu.memory_space<hbm>> -> memref<10000x128xbf16, #tpu.memory_space<hbm>>
    %dma_start3A_26 = tpu.memref_slice %arg16[%dma_start3A_16] : memref<2x!tpu.dma_semaphore, #tpu.memory_space<semaphore_mem>> -> memref<1x!tpu.dma_semaphore, #tpu.memory_space<semaphore_mem>>
    %dma_start3A_27 = tpu.memref_squeeze %dma_start3A_26 : memref<1x!tpu.dma_semaphore, #tpu.memory_space<semaphore_mem>> -> memref<!tpu.dma_semaphore, #tpu.memory_space<semaphore_mem>>
    tpu.enqueue_indirect_dma source(%dma_start3A_25 : memref<10000x128xbf16, #tpu.memory_space<hbm>>) target(%dma_start3A_20 : memref<128x128xbf16, #tpu.memory_space<vmem>>) offsets(%dma_start3A_22 : memref<128xi32, #tpu.memory_space<vmem>>) semaphore(%dma_start3A_27 : memref<!tpu.dma_semaphore, #tpu.memory_space<semaphore_mem>>)
    %dma_start3A_28 = arith.constant 0 : i32
    %dma_start3A_29 = arith.constant 0 : i32
    %dma_start3A_30 = arith.constant 0 : i32
    %dma_start3A_31 = arith.constant 0 : i32
    %dma_start3A_32 = tpu.memref_slice %arg13[%dma_start3A_28, %dma_start3A_30, %dma_start3A_31] : memref<2x128x128xbf16, #tpu.memory_space<vmem>> -> memref<1x128x128xbf16, #tpu.memory_space<vmem>>
    %dma_start3A_33 = tpu.memref_squeeze %dma_start3A_32 : memref<1x128x128xbf16, #tpu.memory_space<vmem>> -> memref<128x128xbf16, #tpu.memory_space<vmem>>
    %dma_start3A_34 = arith.constant 0 : i32
    %dma_start3A_35 = tpu.memref_slice %arg10[%dma_start3A_34] : memref<1024xi32, #tpu.memory_space<vmem>> -> memref<128xi32, #tpu.memory_space<vmem>>
    %dma_start3A_36 = arith.constant 0 : i32
    %dma_start3A_37 = arith.constant 0 : i32
    %dma_start3A_38 = tpu.memref_slice %arg3[%dma_start3A_36, %dma_start3A_37] : memref<10000x128xbf16, #tpu.memory_space<hbm>> -> memref<10000x128xbf16, #tpu.memory_space<hbm>>
    %dma_start3A_39 = tpu.memref_slice %arg16[%dma_start3A_29] : memref<2x!tpu.dma_semaphore, #tpu.memory_space<semaphore_mem>> -> memref<1x!tpu.dma_semaphore, #tpu.memory_space<semaphore_mem>>
    %dma_start3A_40 = tpu.memref_squeeze %dma_start3A_39 : memref<1x!tpu.dma_semaphore, #tpu.memory_space<semaphore_mem>> -> memref<!tpu.dma_semaphore, #tpu.memory_space<semaphore_mem>>
    tpu.enqueue_indirect_dma source(%dma_start3A_38 : memref<10000x128xbf16, #tpu.memory_space<hbm>>) target(%dma_start3A_33 : memref<128x128xbf16, #tpu.memory_space<vmem>>) offsets(%dma_start3A_35 : memref<128xi32, #tpu.memory_space<vmem>>) semaphore(%dma_start3A_40 : memref<!tpu.dma_semaphore, #tpu.memory_space<semaphore_mem>>)
    %while3A = arith.constant 0 : i32
    %while3A_41 = arith.constant 0 : i32
    %while3A_42 = arith.subi %min3A, %while3A_41 : i32
    %while3A_43 = arith.addi %while3A_41, %while3A_42 : i32
    %while3A_44 = arith.constant 1 : i32
    %while3A_45 = arith.divsi %while3A_42, %while3A_44 : i32
    %while3A_46 = arith.muli %while3A_45, %while3A_44 : i32
    %while3A_47 = arith.addi %while3A_41, %while3A_46 : i32
    %while3A_48 = arith.constant 1 : i32
    scf.for %while3A_143 = %while3A_41 to %while3A_47 step %while3A_48  : i32 {
      %add3A_144 = arith.constant 1 : i32
      %add3A_145 = arith.addi %while3A_143, %add3A_144 : i32
      %lt3A = arith.cmpi slt, %add3A_145, %min3A : i32
      %and3A_146 = arith.constant 7 : i32
      %and3A_147 = arith.andi %add3A_145, %and3A_146 : i32
      %eq3A_148 = arith.constant 0 : i32
      %eq3A_149 = arith.cmpi eq, %and3A_147, %eq3A_148 : i32
      %convert_element_type3A_150 = arith.extui %lt3A : i1 to i32
      %cond3A_151 = arith.constant 0 : i32
      %cond3A_152 = arith.cmpi ne, %convert_element_type3A_150, %cond3A_151 : i32
      scf.if %cond3A_152 {
        %convert_element_type3A_206 = arith.extui %eq3A_149 : i1 to i32
        %cond3A_207 = arith.constant 0 : i32
        %cond3A_208 = arith.cmpi ne, %convert_element_type3A_206, %cond3A_207 : i32
        scf.if %cond3A_208 {
          %and3A_235 = arith.constant 1 : i32
          %and3A_236 = arith.andi %while3A_143, %and3A_235 : i32
          %and3A_237 = arith.constant 7 : i32
          %and3A_238 = arith.andi %while3A_143, %and3A_237 : i32
          %mul3A_239 = arith.constant 128 : i32
          %mul3A_240 = arith.muli %and3A_238, %mul3A_239 : i32
          %dma_wait3A_241 = arith.constant 0 : i32
          %dma_wait3A_242 = arith.constant 0 : i32
          %dma_wait3A_243 = tpu.memref_slice %arg12[%and3A_236, %dma_wait3A_241, %dma_wait3A_242] : memref<2x128x128xbf16, #tpu.memory_space<vmem>> -> memref<1x128x128xbf16, #tpu.memory_space<vmem>>
          %dma_wait3A_244 = tpu.memref_squeeze %dma_wait3A_243 : memref<1x128x128xbf16, #tpu.memory_space<vmem>> -> memref<128x128xbf16, #tpu.memory_space<vmem>>
          %dma_wait3A_245 = tpu.memref_slice %arg9[%mul3A_240] : memref<1024xi32, #tpu.memory_space<vmem>> -> memref<128xi32, #tpu.memory_space<vmem>>
          %dma_wait3A_246 = arith.constant 0 : i32
          %dma_wait3A_247 = arith.constant 0 : i32
          %dma_wait3A_248 = tpu.memref_slice %arg2[%dma_wait3A_246, %dma_wait3A_247] : memref<10000x128xbf16, #tpu.memory_space<hbm>> -> memref<10000x128xbf16, #tpu.memory_space<hbm>>
          %dma_wait3A_249 = tpu.memref_slice %arg16[%and3A_236] : memref<2x!tpu.dma_semaphore, #tpu.memory_space<semaphore_mem>> -> memref<1x!tpu.dma_semaphore, #tpu.memory_space<semaphore_mem>>
          %dma_wait3A_250 = tpu.memref_squeeze %dma_wait3A_249 : memref<1x!tpu.dma_semaphore, #tpu.memory_space<semaphore_mem>> -> memref<!tpu.dma_semaphore, #tpu.memory_space<semaphore_mem>>
          tpu.wait_indirect_dma semaphore(%dma_wait3A_250 : memref<!tpu.dma_semaphore, #tpu.memory_space<semaphore_mem>>) src(%dma_wait3A_248 : memref<10000x128xbf16, #tpu.memory_space<hbm>>) dst(%dma_wait3A_244 : memref<128x128xbf16, #tpu.memory_space<vmem>>)
          %dma_wait3A_251 = arith.constant 0 : i32
          %dma_wait3A_252 = arith.constant 0 : i32
          %dma_wait3A_253 = tpu.memref_slice %arg13[%and3A_236, %dma_wait3A_251, %dma_wait3A_252] : memref<2x128x128xbf16, #tpu.memory_space<vmem>> -> memref<1x128x128xbf16, #tpu.memory_space<vmem>>
          %dma_wait3A_254 = tpu.memref_squeeze %dma_wait3A_253 : memref<1x128x128xbf16, #tpu.memory_space<vmem>> -> memref<128x128xbf16, #tpu.memory_space<vmem>>
          %dma_wait3A_255 = tpu.memref_slice %arg10[%mul3A_240] : memref<1024xi32, #tpu.memory_space<vmem>> -> memref<128xi32, #tpu.memory_space<vmem>>
          %dma_wait3A_256 = arith.constant 0 : i32
          %dma_wait3A_257 = arith.constant 0 : i32
          %dma_wait3A_258 = tpu.memref_slice %arg3[%dma_wait3A_256, %dma_wait3A_257] : memref<10000x128xbf16, #tpu.memory_space<hbm>> -> memref<10000x128xbf16, #tpu.memory_space<hbm>>
          %dma_wait3A_259 = tpu.memref_slice %arg16[%and3A_236] : memref<2x!tpu.dma_semaphore, #tpu.memory_space<semaphore_mem>> -> memref<1x!tpu.dma_semaphore, #tpu.memory_space<semaphore_mem>>
          %dma_wait3A_260 = tpu.memref_squeeze %dma_wait3A_259 : memref<1x!tpu.dma_semaphore, #tpu.memory_space<semaphore_mem>> -> memref<!tpu.dma_semaphore, #tpu.memory_space<semaphore_mem>>
          tpu.wait_indirect_dma semaphore(%dma_wait3A_260 : memref<!tpu.dma_semaphore, #tpu.memory_space<semaphore_mem>>) src(%dma_wait3A_258 : memref<10000x128xbf16, #tpu.memory_space<hbm>>) dst(%dma_wait3A_254 : memref<128x128xbf16, #tpu.memory_space<vmem>>)
          %add3A_261 = arith.addi %mul3A_6, %add3A_145 : i32
          %mul3A_262 = arith.constant 128 : i32
          %mul3A_263 = arith.muli %add3A_261, %mul3A_262 : i32
          %multiple_of3A_264 = tpu.assume_multiple %mul3A_263, 8 : i32
          "tpu.region"() ({
            %run_scoped3A_293 = tpu.sem_alloc : memref<!tpu.dma_semaphore, #tpu.memory_space<semaphore_mem>>
            %dma_start3A_294 = tpu.memref_slice %arg4[%multiple_of3A_264] : memref<327680xi32, #tpu.memory_space<hbm>> -> memref<1024xi32, #tpu.memory_space<hbm>>
            %dma_start3A_295 = tpu.memref_slice %arg4[%multiple_of3A_264] : memref<327680xi32, #tpu.memory_space<hbm>> -> memref<1024xi32, #tpu.memory_space<hbm>>
            tpu.enqueue_dma source(%dma_start3A_295 : memref<1024xi32, #tpu.memory_space<hbm>>) target(%arg9 : memref<1024xi32, #tpu.memory_space<vmem>>) target_semaphore(%run_scoped3A_293 : memref<!tpu.dma_semaphore, #tpu.memory_space<semaphore_mem>>)
            %dma_wait3A_296 = tpu.memref_slice %arg4[%multiple_of3A_264] : memref<327680xi32, #tpu.memory_space<hbm>> -> memref<1024xi32, #tpu.memory_space<hbm>>
            %dma_wait3A_297 = tpu.memref_slice %arg4[%multiple_of3A_264] : memref<327680xi32, #tpu.memory_space<hbm>> -> memref<1024xi32, #tpu.memory_space<hbm>>
            tpu.wait_dma2 semaphore(%run_scoped3A_293 : memref<!tpu.dma_semaphore, #tpu.memory_space<semaphore_mem>>) src(%dma_wait3A_297 : memref<1024xi32, #tpu.memory_space<hbm>>) dst(%arg9 : memref<1024xi32, #tpu.memory_space<vmem>>)
            tpu.yield
          }) : () -> ()
          "tpu.region"() ({
            %run_scoped3A_293 = tpu.sem_alloc : memref<!tpu.dma_semaphore, #tpu.memory_space<semaphore_mem>>
            %dma_start3A_294 = tpu.memref_slice %arg5[%multiple_of3A_264] : memref<327680xi32, #tpu.memory_space<hbm>> -> memref<1024xi32, #tpu.memory_space<hbm>>
            %dma_start3A_295 = tpu.memref_slice %arg5[%multiple_of3A_264] : memref<327680xi32, #tpu.memory_space<hbm>> -> memref<1024xi32, #tpu.memory_space<hbm>>
            tpu.enqueue_dma source(%dma_start3A_295 : memref<1024xi32, #tpu.memory_space<hbm>>) target(%arg10 : memref<1024xi32, #tpu.memory_space<vmem>>) target_semaphore(%run_scoped3A_293 : memref<!tpu.dma_semaphore, #tpu.memory_space<semaphore_mem>>)
            %dma_wait3A_296 = tpu.memref_slice %arg5[%multiple_of3A_264] : memref<327680xi32, #tpu.memory_space<hbm>> -> memref<1024xi32, #tpu.memory_space<hbm>>
            %dma_wait3A_297 = tpu.memref_slice %arg5[%multiple_of3A_264] : memref<327680xi32, #tpu.memory_space<hbm>> -> memref<1024xi32, #tpu.memory_space<hbm>>
            tpu.wait_dma2 semaphore(%run_scoped3A_293 : memref<!tpu.dma_semaphore, #tpu.memory_space<semaphore_mem>>) src(%dma_wait3A_297 : memref<1024xi32, #tpu.memory_space<hbm>>) dst(%arg10 : memref<1024xi32, #tpu.memory_space<vmem>>)
            tpu.yield
          }) : () -> ()
          %add3A_265 = arith.addi %mul3A_6, %add3A_145 : i32
          %multiple_of3A_266 = tpu.assume_multiple %add3A_265, 8 : i32
          %jit3A_267 = arith.constant 8 : i32
          %div3A_268 = arith.divsi %add3A_145, %jit3A_267 : i32
          %sign3A_269 = arith.constant 0 : i32
          %sign3A_270 = arith.cmpi sgt, %add3A_145, %sign3A_269 : i32
          %sign3A_271 = arith.extui %sign3A_270 : i1 to i32
          %sign3A_272 = arith.constant 0 : i32
          %sign3A_273 = arith.cmpi slt, %add3A_145, %sign3A_272 : i32
          %sign3A_274 = arith.extui %sign3A_273 : i1 to i32
          %sign3A_275 = arith.subi %sign3A_271, %sign3A_274 : i32
          %sign3A_276 = arith.constant 0 : i32
          %sign3A_277 = arith.cmpi sgt, %jit3A_267, %sign3A_276 : i32
          %sign3A_278 = arith.extui %sign3A_277 : i1 to i32
          %sign3A_279 = arith.constant 0 : i32
          %sign3A_280 = arith.cmpi slt, %jit3A_267, %sign3A_279 : i32
          %sign3A_281 = arith.extui %sign3A_280 : i1 to i32
          %sign3A_282 = arith.subi %sign3A_278, %sign3A_281 : i32
          %ne3A_283 = arith.cmpi ne, %sign3A_275, %sign3A_282 : i32
          %rem3A_284 = arith.remsi %add3A_145, %jit3A_267 : i32
          %ne3A_285 = arith.constant 0 : i32
          %ne3A_286 = arith.cmpi ne, %rem3A_284, %ne3A_285 : i32
          %and3A_287 = arith.andi %ne3A_283, %ne3A_286 : i1
          %sub3A_288 = arith.constant 1 : i32
          %sub3A_289 = arith.subi %div3A_268, %sub3A_288 : i32
          %select_n3A_290 = arith.select %and3A_287, %sub3A_289, %div3A_268 : i32
          %and3A_291 = arith.constant 1 : i32
          %and3A_292 = arith.andi %select_n3A_290, %and3A_291 : i32
          "tpu.region"() ({
            %run_scoped3A_293 = tpu.sem_alloc : memref<!tpu.dma_semaphore, #tpu.memory_space<semaphore_mem>>
            %dma_start3A_294 = arith.constant 0 : i32
            %dma_start3A_295 = arith.constant 0 : i32
            %dma_start3A_296 = tpu.memref_slice %arg11[%and3A_292, %dma_start3A_294, %dma_start3A_295] : memref<2x8x128xi32, #tpu.memory_space<vmem>> -> memref<1x8x128xi32, #tpu.memory_space<vmem>>
            %dma_start3A_297 = tpu.memref_squeeze %dma_start3A_296 : memref<1x8x128xi32, #tpu.memory_space<vmem>> -> memref<8x128xi32, #tpu.memory_space<vmem>>
            %dma_start3A_298 = arith.constant 0 : i32
            %dma_start3A_299 = tpu.memref_slice %arg6[%multiple_of3A_266, %dma_start3A_298] : memref<2560x128xi32, #tpu.memory_space<hbm>> -> memref<8x128xi32, #tpu.memory_space<hbm>>
            %dma_start3A_300 = arith.constant 0 : i32
            %dma_start3A_301 = arith.constant 0 : i32
            %dma_start3A_302 = tpu.memref_slice %arg11[%and3A_292, %dma_start3A_300, %dma_start3A_301] : memref<2x8x128xi32, #tpu.memory_space<vmem>> -> memref<1x8x128xi32, #tpu.memory_space<vmem>>
            %dma_start3A_303 = tpu.memref_squeeze %dma_start3A_302 : memref<1x8x128xi32, #tpu.memory_space<vmem>> -> memref<8x128xi32, #tpu.memory_space<vmem>>
            %dma_start3A_304 = arith.constant 0 : i32
            %dma_start3A_305 = tpu.memref_slice %arg6[%multiple_of3A_266, %dma_start3A_304] : memref<2560x128xi32, #tpu.memory_space<hbm>> -> memref<8x128xi32, #tpu.memory_space<hbm>>
            tpu.enqueue_dma source(%dma_start3A_305 : memref<8x128xi32, #tpu.memory_space<hbm>>) target(%dma_start3A_303 : memref<8x128xi32, #tpu.memory_space<vmem>>) target_semaphore(%run_scoped3A_293 : memref<!tpu.dma_semaphore, #tpu.memory_space<semaphore_mem>>)
            %dma_wait3A_306 = arith.constant 0 : i32
            %dma_wait3A_307 = arith.constant 0 : i32
            %dma_wait3A_308 = tpu.memref_slice %arg11[%and3A_292, %dma_wait3A_306, %dma_wait3A_307] : memref<2x8x128xi32, #tpu.memory_space<vmem>> -> memref<1x8x128xi32, #tpu.memory_space<vmem>>
            %dma_wait3A_309 = tpu.memref_squeeze %dma_wait3A_308 : memref<1x8x128xi32, #tpu.memory_space<vmem>> -> memref<8x128xi32, #tpu.memory_space<vmem>>
            %dma_wait3A_310 = arith.constant 0 : i32
            %dma_wait3A_311 = tpu.memref_slice %arg6[%multiple_of3A_266, %dma_wait3A_310] : memref<2560x128xi32, #tpu.memory_space<hbm>> -> memref<8x128xi32, #tpu.memory_space<hbm>>
            %dma_wait3A_312 = arith.constant 0 : i32
            %dma_wait3A_313 = arith.constant 0 : i32
            %dma_wait3A_314 = tpu.memref_slice %arg11[%and3A_292, %dma_wait3A_312, %dma_wait3A_313] : memref<2x8x128xi32, #tpu.memory_space<vmem>> -> memref<1x8x128xi32, #tpu.memory_space<vmem>>
            %dma_wait3A_315 = tpu.memref_squeeze %dma_wait3A_314 : memref<1x8x128xi32, #tpu.memory_space<vmem>> -> memref<8x128xi32, #tpu.memory_space<vmem>>
            %dma_wait3A_316 = arith.constant 0 : i32
            %dma_wait3A_317 = tpu.memref_slice %arg6[%multiple_of3A_266, %dma_wait3A_316] : memref<2560x128xi32, #tpu.memory_space<hbm>> -> memref<8x128xi32, #tpu.memory_space<hbm>>
            tpu.wait_dma2 semaphore(%run_scoped3A_293 : memref<!tpu.dma_semaphore, #tpu.memory_space<semaphore_mem>>) src(%dma_wait3A_317 : memref<8x128xi32, #tpu.memory_space<hbm>>) dst(%dma_wait3A_315 : memref<8x128xi32, #tpu.memory_space<vmem>>)
            tpu.yield
          }) : () -> ()
        } else {
        }
        %and3A_209 = arith.constant 1 : i32
        %and3A_210 = arith.andi %add3A_145, %and3A_209 : i32
        %and3A_211 = arith.constant 7 : i32
        %and3A_212 = arith.andi %add3A_145, %and3A_211 : i32
        %mul3A_213 = arith.constant 128 : i32
        %mul3A_214 = arith.muli %and3A_212, %mul3A_213 : i32
        %dma_start3A_215 = arith.constant 0 : i32
        %dma_start3A_216 = arith.constant 0 : i32
        %dma_start3A_217 = tpu.memref_slice %arg12[%and3A_210, %dma_start3A_215, %dma_start3A_216] : memref<2x128x128xbf16, #tpu.memory_space<vmem>> -> memref<1x128x128xbf16, #tpu.memory_space<vmem>>
        %dma_start3A_218 = tpu.memref_squeeze %dma_start3A_217 : memref<1x128x128xbf16, #tpu.memory_space<vmem>> -> memref<128x128xbf16, #tpu.memory_space<vmem>>
        %dma_start3A_219 = tpu.memref_slice %arg9[%mul3A_214] : memref<1024xi32, #tpu.memory_space<vmem>> -> memref<128xi32, #tpu.memory_space<vmem>>
        %dma_start3A_220 = arith.constant 0 : i32
        %dma_start3A_221 = arith.constant 0 : i32
        %dma_start3A_222 = tpu.memref_slice %arg2[%dma_start3A_220, %dma_start3A_221] : memref<10000x128xbf16, #tpu.memory_space<hbm>> -> memref<10000x128xbf16, #tpu.memory_space<hbm>>
        %dma_start3A_223 = tpu.memref_slice %arg16[%and3A_210] : memref<2x!tpu.dma_semaphore, #tpu.memory_space<semaphore_mem>> -> memref<1x!tpu.dma_semaphore, #tpu.memory_space<semaphore_mem>>
        %dma_start3A_224 = tpu.memref_squeeze %dma_start3A_223 : memref<1x!tpu.dma_semaphore, #tpu.memory_space<semaphore_mem>> -> memref<!tpu.dma_semaphore, #tpu.memory_space<semaphore_mem>>
        tpu.enqueue_indirect_dma source(%dma_start3A_222 : memref<10000x128xbf16, #tpu.memory_space<hbm>>) target(%dma_start3A_218 : memref<128x128xbf16, #tpu.memory_space<vmem>>) offsets(%dma_start3A_219 : memref<128xi32, #tpu.memory_space<vmem>>) semaphore(%dma_start3A_224 : memref<!tpu.dma_semaphore, #tpu.memory_space<semaphore_mem>>)
        %dma_start3A_225 = arith.constant 0 : i32
        %dma_start3A_226 = arith.constant 0 : i32
        %dma_start3A_227 = tpu.memref_slice %arg13[%and3A_210, %dma_start3A_225, %dma_start3A_226] : memref<2x128x128xbf16, #tpu.memory_space<vmem>> -> memref<1x128x128xbf16, #tpu.memory_space<vmem>>
        %dma_start3A_228 = tpu.memref_squeeze %dma_start3A_227 : memref<1x128x128xbf16, #tpu.memory_space<vmem>> -> memref<128x128xbf16, #tpu.memory_space<vmem>>
        %dma_start3A_229 = tpu.memref_slice %arg10[%mul3A_214] : memref<1024xi32, #tpu.memory_space<vmem>> -> memref<128xi32, #tpu.memory_space<vmem>>
        %dma_start3A_230 = arith.constant 0 : i32
        %dma_start3A_231 = arith.constant 0 : i32
        %dma_start3A_232 = tpu.memref_slice %arg3[%dma_start3A_230, %dma_start3A_231] : memref<10000x128xbf16, #tpu.memory_space<hbm>> -> memref<10000x128xbf16, #tpu.memory_space<hbm>>
        %dma_start3A_233 = tpu.memref_slice %arg16[%and3A_210] : memref<2x!tpu.dma_semaphore, #tpu.memory_space<semaphore_mem>> -> memref<1x!tpu.dma_semaphore, #tpu.memory_space<semaphore_mem>>
        %dma_start3A_234 = tpu.memref_squeeze %dma_start3A_233 : memref<1x!tpu.dma_semaphore, #tpu.memory_space<semaphore_mem>> -> memref<!tpu.dma_semaphore, #tpu.memory_space<semaphore_mem>>
        tpu.enqueue_indirect_dma source(%dma_start3A_232 : memref<10000x128xbf16, #tpu.memory_space<hbm>>) target(%dma_start3A_228 : memref<128x128xbf16, #tpu.memory_space<vmem>>) offsets(%dma_start3A_229 : memref<128xi32, #tpu.memory_space<vmem>>) semaphore(%dma_start3A_234 : memref<!tpu.dma_semaphore, #tpu.memory_space<semaphore_mem>>)
      } else {
      }
      %and3A_153 = arith.andi %lt3A, %eq3A_149 : i1
      %not3A = arith.constant true
      %not3A_154 = arith.xori %and3A_153, %not3A : i1
      %convert_element_type3A_155 = arith.extui %not3A_154 : i1 to i32
      %cond3A_156 = arith.constant 0 : i32
      %cond3A_157 = arith.cmpi ne, %convert_element_type3A_155, %cond3A_156 : i32
      scf.if %cond3A_157 {
        %and3A_206 = arith.constant 1 : i32
        %and3A_207 = arith.andi %while3A_143, %and3A_206 : i32
        %and3A_208 = arith.constant 7 : i32
        %and3A_209 = arith.andi %while3A_143, %and3A_208 : i32
        %mul3A_210 = arith.constant 128 : i32
        %mul3A_211 = arith.muli %and3A_209, %mul3A_210 : i32
        %dma_wait3A_212 = arith.constant 0 : i32
        %dma_wait3A_213 = arith.constant 0 : i32
        %dma_wait3A_214 = tpu.memref_slice %arg12[%and3A_207, %dma_wait3A_212, %dma_wait3A_213] : memref<2x128x128xbf16, #tpu.memory_space<vmem>> -> memref<1x128x128xbf16, #tpu.memory_space<vmem>>
        %dma_wait3A_215 = tpu.memref_squeeze %dma_wait3A_214 : memref<1x128x128xbf16, #tpu.memory_space<vmem>> -> memref<128x128xbf16, #tpu.memory_space<vmem>>
        %dma_wait3A_216 = tpu.memref_slice %arg9[%mul3A_211] : memref<1024xi32, #tpu.memory_space<vmem>> -> memref<128xi32, #tpu.memory_space<vmem>>
        %dma_wait3A_217 = arith.constant 0 : i32
        %dma_wait3A_218 = arith.constant 0 : i32
        %dma_wait3A_219 = tpu.memref_slice %arg2[%dma_wait3A_217, %dma_wait3A_218] : memref<10000x128xbf16, #tpu.memory_space<hbm>> -> memref<10000x128xbf16, #tpu.memory_space<hbm>>
        %dma_wait3A_220 = tpu.memref_slice %arg16[%and3A_207] : memref<2x!tpu.dma_semaphore, #tpu.memory_space<semaphore_mem>> -> memref<1x!tpu.dma_semaphore, #tpu.memory_space<semaphore_mem>>
        %dma_wait3A_221 = tpu.memref_squeeze %dma_wait3A_220 : memref<1x!tpu.dma_semaphore, #tpu.memory_space<semaphore_mem>> -> memref<!tpu.dma_semaphore, #tpu.memory_space<semaphore_mem>>
        tpu.wait_indirect_dma semaphore(%dma_wait3A_221 : memref<!tpu.dma_semaphore, #tpu.memory_space<semaphore_mem>>) src(%dma_wait3A_219 : memref<10000x128xbf16, #tpu.memory_space<hbm>>) dst(%dma_wait3A_215 : memref<128x128xbf16, #tpu.memory_space<vmem>>)
        %dma_wait3A_222 = arith.constant 0 : i32
        %dma_wait3A_223 = arith.constant 0 : i32
        %dma_wait3A_224 = tpu.memref_slice %arg13[%and3A_207, %dma_wait3A_222, %dma_wait3A_223] : memref<2x128x128xbf16, #tpu.memory_space<vmem>> -> memref<1x128x128xbf16, #tpu.memory_space<vmem>>
        %dma_wait3A_225 = tpu.memref_squeeze %dma_wait3A_224 : memref<1x128x128xbf16, #tpu.memory_space<vmem>> -> memref<128x128xbf16, #tpu.memory_space<vmem>>
        %dma_wait3A_226 = tpu.memref_slice %arg10[%mul3A_211] : memref<1024xi32, #tpu.memory_space<vmem>> -> memref<128xi32, #tpu.memory_space<vmem>>
        %dma_wait3A_227 = arith.constant 0 : i32
        %dma_wait3A_228 = arith.constant 0 : i32
        %dma_wait3A_229 = tpu.memref_slice %arg3[%dma_wait3A_227, %dma_wait3A_228] : memref<10000x128xbf16, #tpu.memory_space<hbm>> -> memref<10000x128xbf16, #tpu.memory_space<hbm>>
        %dma_wait3A_230 = tpu.memref_slice %arg16[%and3A_207] : memref<2x!tpu.dma_semaphore, #tpu.memory_space<semaphore_mem>> -> memref<1x!tpu.dma_semaphore, #tpu.memory_space<semaphore_mem>>
        %dma_wait3A_231 = tpu.memref_squeeze %dma_wait3A_230 : memref<1x!tpu.dma_semaphore, #tpu.memory_space<semaphore_mem>> -> memref<!tpu.dma_semaphore, #tpu.memory_space<semaphore_mem>>
        tpu.wait_indirect_dma semaphore(%dma_wait3A_231 : memref<!tpu.dma_semaphore, #tpu.memory_space<semaphore_mem>>) src(%dma_wait3A_229 : memref<10000x128xbf16, #tpu.memory_space<hbm>>) dst(%dma_wait3A_225 : memref<128x128xbf16, #tpu.memory_space<vmem>>)
      } else {
      }
      %ge3A = arith.constant 2 : i32
      %ge3A_158 = arith.cmpi sge, %while3A_143, %ge3A : i32
      %convert_element_type3A_159 = arith.extui %ge3A_158 : i1 to i32
      %cond3A_160 = arith.constant 0 : i32
      %cond3A_161 = arith.cmpi ne, %convert_element_type3A_159, %cond3A_160 : i32
      scf.if %cond3A_161 {
        %sub3A_206 = arith.constant 2 : i32
        %sub3A_207 = arith.subi %while3A_143, %sub3A_206 : i32
        %and3A_208 = arith.constant 1 : i32
        %and3A_209 = arith.andi %sub3A_207, %and3A_208 : i32
        %jit3A_210 = arith.constant 8 : i32
        %div3A_211 = arith.divsi %sub3A_207, %jit3A_210 : i32
        %sign3A_212 = arith.constant 0 : i32
        %sign3A_213 = arith.cmpi sgt, %sub3A_207, %sign3A_212 : i32
        %sign3A_214 = arith.extui %sign3A_213 : i1 to i32
        %sign3A_215 = arith.constant 0 : i32
        %sign3A_216 = arith.cmpi slt, %sub3A_207, %sign3A_215 : i32
        %sign3A_217 = arith.extui %sign3A_216 : i1 to i32
        %sign3A_218 = arith.subi %sign3A_214, %sign3A_217 : i32
        %sign3A_219 = arith.constant 0 : i32
        %sign3A_220 = arith.cmpi sgt, %jit3A_210, %sign3A_219 : i32
        %sign3A_221 = arith.extui %sign3A_220 : i1 to i32
        %sign3A_222 = arith.constant 0 : i32
        %sign3A_223 = arith.cmpi slt, %jit3A_210, %sign3A_222 : i32
        %sign3A_224 = arith.extui %sign3A_223 : i1 to i32
        %sign3A_225 = arith.subi %sign3A_221, %sign3A_224 : i32
        %ne3A_226 = arith.cmpi ne, %sign3A_218, %sign3A_225 : i32
        %rem3A_227 = arith.remsi %sub3A_207, %jit3A_210 : i32
        %ne3A_228 = arith.constant 0 : i32
        %ne3A_229 = arith.cmpi ne, %rem3A_227, %ne3A_228 : i32
        %and3A_230 = arith.andi %ne3A_226, %ne3A_229 : i1
        %sub3A_231 = arith.constant 1 : i32
        %sub3A_232 = arith.subi %div3A_211, %sub3A_231 : i32
        %select_n3A_233 = arith.select %and3A_230, %sub3A_232, %div3A_211 : i32
        %and3A_234 = arith.constant 1 : i32
        %and3A_235 = arith.andi %select_n3A_233, %and3A_234 : i32
        %and3A_236 = arith.constant 7 : i32
        %and3A_237 = arith.andi %sub3A_207, %and3A_236 : i32
        %and3A_238 = arith.constant 1 : i32
        %and3A_239 = arith.andi %sub3A_207, %and3A_238 : i32
        %dma_wait3A_240 = arith.constant 0 : i32
        %dma_wait3A_241 = arith.constant 0 : i32
        %dma_wait3A_242 = tpu.memref_slice %arg14[%and3A_209, %dma_wait3A_240, %dma_wait3A_241] : memref<2x128x128xbf16, #tpu.memory_space<vmem>> -> memref<1x128x128xbf16, #tpu.memory_space<vmem>>
        %dma_wait3A_243 = tpu.memref_squeeze %dma_wait3A_242 : memref<1x128x128xbf16, #tpu.memory_space<vmem>> -> memref<128x128xbf16, #tpu.memory_space<vmem>>
        %dma_wait3A_244 = arith.constant 0 : i32
        %dma_wait3A_245 = tpu.memref_slice %arg11[%and3A_235, %and3A_237, %dma_wait3A_244] : memref<2x8x128xi32, #tpu.memory_space<vmem>> -> memref<1x1x128xi32, #tpu.memory_space<vmem>>
        %dma_wait3A_246 = tpu.memref_squeeze %dma_wait3A_245 : memref<1x1x128xi32, #tpu.memory_space<vmem>> -> memref<128xi32, #tpu.memory_space<vmem>>
        %dma_wait3A_247 = arith.constant 0 : i32
        %dma_wait3A_248 = arith.constant 0 : i32
        %dma_wait3A_249 = tpu.memref_slice %arg15[%dma_wait3A_247, %dma_wait3A_248] : memref<10000x128xbf16, #tpu.memory_space<vmem_shared>> -> memref<10000x128xbf16, #tpu.memory_space<vmem_shared>>
        %dma_wait3A_250 = tpu.memref_slice %arg17[%and3A_239] : memref<2x!tpu.dma_semaphore, #tpu.memory_space<semaphore_mem>> -> memref<1x!tpu.dma_semaphore, #tpu.memory_space<semaphore_mem>>
        %dma_wait3A_251 = tpu.memref_squeeze %dma_wait3A_250 : memref<1x!tpu.dma_semaphore, #tpu.memory_space<semaphore_mem>> -> memref<!tpu.dma_semaphore, #tpu.memory_space<semaphore_mem>>
        tpu.wait_indirect_dma semaphore(%dma_wait3A_251 : memref<!tpu.dma_semaphore, #tpu.memory_space<semaphore_mem>>) src(%dma_wait3A_243 : memref<128x128xbf16, #tpu.memory_space<vmem>>) dst(%dma_wait3A_249 : memref<10000x128xbf16, #tpu.memory_space<vmem_shared>>)
      } else {
      }
      %and3A_162 = arith.constant 1 : i32
      %and3A_163 = arith.andi %while3A_143, %and3A_162 : i32
      %parallel_loop3A = arith.constant 0 : i32
      %parallel_loop3A_164 = arith.constant 128 : i32
      %parallel_loop3A_165 = arith.constant 1 : i32
      scf.for %parallel_loop3A_206 = %parallel_loop3A to %parallel_loop3A_164 step %parallel_loop3A_165  : i32 {
        %parallel_loop3A_207 = arith.index_cast %and3A_163 : i32 to index
        %parallel_loop3A_208 = arith.index_cast %parallel_loop3A_206 : i32 to index
        %parallel_loop3A_209 = arith.constant 0 : index
        %parallel_loop3A_210 = tpu.vector_load %arg12[%parallel_loop3A_207, %parallel_loop3A_208, %parallel_loop3A_209] {strides = array<i32>} : memref<2x128x128xbf16, #tpu.memory_space<vmem>>, vector<1x1x32xbf16>,
        %parallel_loop3A_211 = vector.shape_cast %parallel_loop3A_210 : vector<1x1x32xbf16> to vector<32xbf16>
        %parallel_loop3A_212 = arith.index_cast %and3A_163 : i32 to index
        %parallel_loop3A_213 = arith.index_cast %parallel_loop3A_206 : i32 to index
        %parallel_loop3A_214 = arith.constant 0 : index
        %parallel_loop3A_215 = tpu.vector_load %arg13[%parallel_loop3A_212, %parallel_loop3A_213, %parallel_loop3A_214] {strides = array<i32>} : memref<2x128x128xbf16, #tpu.memory_space<vmem>>, vector<1x1x32xbf16>,
        %parallel_loop3A_216 = vector.shape_cast %parallel_loop3A_215 : vector<1x1x32xbf16> to vector<32xbf16>
        %parallel_loop3A_217 = arith.mulf %parallel_loop3A_211, %parallel_loop3A_216 : vector<32xbf16>
        %parallel_loop3A_218 = arith.index_cast %and3A_163 : i32 to index
        %parallel_loop3A_219 = arith.index_cast %parallel_loop3A_206 : i32 to index
        %parallel_loop3A_220 = arith.constant 0 : index
        %parallel_loop3A_221 = tpu.vector_load %arg14[%parallel_loop3A_218, %parallel_loop3A_219, %parallel_loop3A_220] {strides = array<i32>} : memref<2x128x128xbf16, #tpu.memory_space<vmem>>, vector<1x1x32xbf16>,
        %parallel_loop3A_222 = vector.shape_cast %parallel_loop3A_221 : vector<1x1x32xbf16> to vector<32xbf16>
        %parallel_loop3A_223 = vector.shape_cast %parallel_loop3A_217 : vector<32xbf16> to vector<1x1x32xbf16>
        tpu.vector_store %arg14[%parallel_loop3A_218, %parallel_loop3A_219, %parallel_loop3A_220], %parallel_loop3A_223 {strides = array<i32>} : memref<2x128x128xbf16, #tpu.memory_space<vmem>>, vector<1x1x32xbf16>,
        %parallel_loop3A_224 = arith.index_cast %and3A_163 : i32 to index
        %parallel_loop3A_225 = arith.index_cast %parallel_loop3A_206 : i32 to index
        %parallel_loop3A_226 = arith.constant 32 : index
        %parallel_loop3A_227 = tpu.vector_load %arg12[%parallel_loop3A_224, %parallel_loop3A_225, %parallel_loop3A_226] {strides = array<i32>} : memref<2x128x128xbf16, #tpu.memory_space<vmem>>, vector<1x1x32xbf16>,
        %parallel_loop3A_228 = vector.shape_cast %parallel_loop3A_227 : vector<1x1x32xbf16> to vector<32xbf16>
        %parallel_loop3A_229 = arith.index_cast %and3A_163 : i32 to index
        %parallel_loop3A_230 = arith.index_cast %parallel_loop3A_206 : i32 to index
        %parallel_loop3A_231 = arith.constant 32 : index
        %parallel_loop3A_232 = tpu.vector_load %arg13[%parallel_loop3A_229, %parallel_loop3A_230, %parallel_loop3A_231] {strides = array<i32>} : memref<2x128x128xbf16, #tpu.memory_space<vmem>>, vector<1x1x32xbf16>,
        %parallel_loop3A_233 = vector.shape_cast %parallel_loop3A_232 : vector<1x1x32xbf16> to vector<32xbf16>
        %parallel_loop3A_234 = arith.mulf %parallel_loop3A_228, %parallel_loop3A_233 : vector<32xbf16>
        %parallel_loop3A_235 = arith.index_cast %and3A_163 : i32 to index
        %parallel_loop3A_236 = arith.index_cast %parallel_loop3A_206 : i32 to index
        %parallel_loop3A_237 = arith.constant 32 : index
        %parallel_loop3A_238 = tpu.vector_load %arg14[%parallel_loop3A_235, %parallel_loop3A_236, %parallel_loop3A_237] {strides = array<i32>} : memref<2x128x128xbf16, #tpu.memory_space<vmem>>, vector<1x1x32xbf16>,
        %parallel_loop3A_239 = vector.shape_cast %parallel_loop3A_238 : vector<1x1x32xbf16> to vector<32xbf16>
        %parallel_loop3A_240 = vector.shape_cast %parallel_loop3A_234 : vector<32xbf16> to vector<1x1x32xbf16>
        tpu.vector_store %arg14[%parallel_loop3A_235, %parallel_loop3A_236, %parallel_loop3A_237], %parallel_loop3A_240 {strides = array<i32>} : memref<2x128x128xbf16, #tpu.memory_space<vmem>>, vector<1x1x32xbf16>,
        %parallel_loop3A_241 = arith.index_cast %and3A_163 : i32 to index
        %parallel_loop3A_242 = arith.index_cast %parallel_loop3A_206 : i32 to index
        %parallel_loop3A_243 = arith.constant 64 : index
        %parallel_loop3A_244 = tpu.vector_load %arg12[%parallel_loop3A_241, %parallel_loop3A_242, %parallel_loop3A_243] {strides = array<i32>} : memref<2x128x128xbf16, #tpu.memory_space<vmem>>, vector<1x1x32xbf16>,
        %parallel_loop3A_245 = vector.shape_cast %parallel_loop3A_244 : vector<1x1x32xbf16> to vector<32xbf16>
        %parallel_loop3A_246 = arith.index_cast %and3A_163 : i32 to index
        %parallel_loop3A_247 = arith.index_cast %parallel_loop3A_206 : i32 to index
        %parallel_loop3A_248 = arith.constant 64 : index
        %parallel_loop3A_249 = tpu.vector_load %arg13[%parallel_loop3A_246, %parallel_loop3A_247, %parallel_loop3A_248] {strides = array<i32>} : memref<2x128x128xbf16, #tpu.memory_space<vmem>>, vector<1x1x32xbf16>,
        %parallel_loop3A_250 = vector.shape_cast %parallel_loop3A_249 : vector<1x1x32xbf16> to vector<32xbf16>
        %parallel_loop3A_251 = arith.mulf %parallel_loop3A_245, %parallel_loop3A_250 : vector<32xbf16>
        %parallel_loop3A_252 = arith.index_cast %and3A_163 : i32 to index
        %parallel_loop3A_253 = arith.index_cast %parallel_loop3A_206 : i32 to index
        %parallel_loop3A_254 = arith.constant 64 : index
        %parallel_loop3A_255 = tpu.vector_load %arg14[%parallel_loop3A_252, %parallel_loop3A_253, %parallel_loop3A_254] {strides = array<i32>} : memref<2x128x128xbf16, #tpu.memory_space<vmem>>, vector<1x1x32xbf16>,
        %parallel_loop3A_256 = vector.shape_cast %parallel_loop3A_255 : vector<1x1x32xbf16> to vector<32xbf16>
        %parallel_loop3A_257 = vector.shape_cast %parallel_loop3A_251 : vector<32xbf16> to vector<1x1x32xbf16>
        tpu.vector_store %arg14[%parallel_loop3A_252, %parallel_loop3A_253, %parallel_loop3A_254], %parallel_loop3A_257 {strides = array<i32>} : memref<2x128x128xbf16, #tpu.memory_space<vmem>>, vector<1x1x32xbf16>,
        %parallel_loop3A_258 = arith.index_cast %and3A_163 : i32 to index
        %parallel_loop3A_259 = arith.index_cast %parallel_loop3A_206 : i32 to index
        %parallel_loop3A_260 = arith.constant 96 : index
        %parallel_loop3A_261 = tpu.vector_load %arg12[%parallel_loop3A_258, %parallel_loop3A_259, %parallel_loop3A_260] {strides = array<i32>} : memref<2x128x128xbf16, #tpu.memory_space<vmem>>, vector<1x1x32xbf16>,
        %parallel_loop3A_262 = vector.shape_cast %parallel_loop3A_261 : vector<1x1x32xbf16> to vector<32xbf16>
        %parallel_loop3A_263 = arith.index_cast %and3A_163 : i32 to index
        %parallel_loop3A_264 = arith.index_cast %parallel_loop3A_206 : i32 to index
        %parallel_loop3A_265 = arith.constant 96 : index
        %parallel_loop3A_266 = tpu.vector_load %arg13[%parallel_loop3A_263, %parallel_loop3A_264, %parallel_loop3A_265] {strides = array<i32>} : memref<2x128x128xbf16, #tpu.memory_space<vmem>>, vector<1x1x32xbf16>,
        %parallel_loop3A_267 = vector.shape_cast %parallel_loop3A_266 : vector<1x1x32xbf16> to vector<32xbf16>
        %parallel_loop3A_268 = arith.mulf %parallel_loop3A_262, %parallel_loop3A_267 : vector<32xbf16>
        %parallel_loop3A_269 = arith.index_cast %and3A_163 : i32 to index
        %parallel_loop3A_270 = arith.index_cast %parallel_loop3A_206 : i32 to index
        %parallel_loop3A_271 = arith.constant 96 : index
        %parallel_loop3A_272 = tpu.vector_load %arg14[%parallel_loop3A_269, %parallel_loop3A_270, %parallel_loop3A_271] {strides = array<i32>} : memref<2x128x128xbf16, #tpu.memory_space<vmem>>, vector<1x1x32xbf16>,
        %parallel_loop3A_273 = vector.shape_cast %parallel_loop3A_272 : vector<1x1x32xbf16> to vector<32xbf16>
        %parallel_loop3A_274 = vector.shape_cast %parallel_loop3A_268 : vector<32xbf16> to vector<1x1x32xbf16>
        tpu.vector_store %arg14[%parallel_loop3A_269, %parallel_loop3A_270, %parallel_loop3A_271], %parallel_loop3A_274 {strides = array<i32>} : memref<2x128x128xbf16, #tpu.memory_space<vmem>>, vector<1x1x32xbf16>,
      } {sc.loop_unroll_factor = 8 : i64, sc.parallel_access}
      %jit3A_166 = arith.constant 8 : i32
      %div3A_167 = arith.divsi %while3A_143, %jit3A_166 : i32
      %sign3A_168 = arith.constant 0 : i32
      %sign3A_169 = arith.cmpi sgt, %while3A_143, %sign3A_168 : i32
      %sign3A_170 = arith.extui %sign3A_169 : i1 to i32
      %sign3A_171 = arith.constant 0 : i32
      %sign3A_172 = arith.cmpi slt, %while3A_143, %sign3A_171 : i32
      %sign3A_173 = arith.extui %sign3A_172 : i1 to i32
      %sign3A_174 = arith.subi %sign3A_170, %sign3A_173 : i32
      %sign3A_175 = arith.constant 0 : i32
      %sign3A_176 = arith.cmpi sgt, %jit3A_166, %sign3A_175 : i32
      %sign3A_177 = arith.extui %sign3A_176 : i1 to i32
      %sign3A_178 = arith.constant 0 : i32
      %sign3A_179 = arith.cmpi slt, %jit3A_166, %sign3A_178 : i32
      %sign3A_180 = arith.extui %sign3A_179 : i1 to i32
      %sign3A_181 = arith.subi %sign3A_177, %sign3A_180 : i32
      %ne3A_182 = arith.cmpi ne, %sign3A_174, %sign3A_181 : i32
      %rem3A_183 = arith.remsi %while3A_143, %jit3A_166 : i32
      %ne3A_184 = arith.constant 0 : i32
      %ne3A_185 = arith.cmpi ne, %rem3A_183, %ne3A_184 : i32
      %and3A_186 = arith.andi %ne3A_182, %ne3A_185 : i1
      %sub3A_187 = arith.constant 1 : i32
      %sub3A_188 = arith.subi %div3A_167, %sub3A_187 : i32
      %select_n3A_189 = arith.select %and3A_186, %sub3A_188, %div3A_167 : i32
      %and3A_190 = arith.constant 1 : i32
      %and3A_191 = arith.andi %select_n3A_189, %and3A_190 : i32
      %and3A_192 = arith.constant 7 : i32
      %and3A_193 = arith.andi %while3A_143, %and3A_192 : i32
      %dma_start3A_194 = arith.constant 0 : i32
      %dma_start3A_195 = arith.constant 0 : i32
      %dma_start3A_196 = tpu.memref_slice %arg14[%and3A_163, %dma_start3A_194, %dma_start3A_195] : memref<2x128x128xbf16, #tpu.memory_space<vmem>> -> memref<1x128x128xbf16, #tpu.memory_space<vmem>>
      %dma_start3A_197 = tpu.memref_squeeze %dma_start3A_196 : memref<1x128x128xbf16, #tpu.memory_space<vmem>> -> memref<128x128xbf16, #tpu.memory_space<vmem>>
      %dma_start3A_198 = arith.constant 0 : i32
      %dma_start3A_199 = tpu.memref_slice %arg11[%and3A_191, %and3A_193, %dma_start3A_198] : memref<2x8x128xi32, #tpu.memory_space<vmem>> -> memref<1x1x128xi32, #tpu.memory_space<vmem>>
      %dma_start3A_200 = tpu.memref_squeeze %dma_start3A_199 : memref<1x1x128xi32, #tpu.memory_space<vmem>> -> memref<128xi32, #tpu.memory_space<vmem>>
      %dma_start3A_201 = arith.constant 0 : i32
      %dma_start3A_202 = arith.constant 0 : i32
      %dma_start3A_203 = tpu.memref_slice %arg15[%dma_start3A_201, %dma_start3A_202] : memref<10000x128xbf16, #tpu.memory_space<vmem_shared>> -> memref<10000x128xbf16, #tpu.memory_space<vmem_shared>>
      %dma_start3A_204 = tpu.memref_slice %arg17[%and3A_163] : memref<2x!tpu.dma_semaphore, #tpu.memory_space<semaphore_mem>> -> memref<1x!tpu.dma_semaphore, #tpu.memory_space<semaphore_mem>>
      %dma_start3A_205 = tpu.memref_squeeze %dma_start3A_204 : memref<1x!tpu.dma_semaphore, #tpu.memory_space<semaphore_mem>> -> memref<!tpu.dma_semaphore, #tpu.memory_space<semaphore_mem>>
      tpu.enqueue_indirect_dma source(%dma_start3A_197 : memref<128x128xbf16, #tpu.memory_space<vmem>>) target(%dma_start3A_203 : memref<10000x128xbf16, #tpu.memory_space<vmem_shared>>) offsets(%dma_start3A_200 : memref<128xi32, #tpu.memory_space<vmem>>) semaphore(%dma_start3A_205 : memref<!tpu.dma_semaphore, #tpu.memory_space<semaphore_mem>>) {add = true}
    }
    %while3A_49 = arith.constant 1 : i32
    scf.for %while3A_143 = %while3A_47 to %while3A_43 step %while3A_49  : i32 {
      %add3A_144 = arith.constant 1 : i32
      %add3A_145 = arith.addi %while3A_143, %add3A_144 : i32
      %lt3A = arith.cmpi slt, %add3A_145, %min3A : i32
      %and3A_146 = arith.constant 7 : i32
      %and3A_147 = arith.andi %add3A_145, %and3A_146 : i32
      %eq3A_148 = arith.constant 0 : i32
      %eq3A_149 = arith.cmpi eq, %and3A_147, %eq3A_148 : i32
      %convert_element_type3A_150 = arith.extui %lt3A : i1 to i32
      %cond3A_151 = arith.constant 0 : i32
      %cond3A_152 = arith.cmpi ne, %convert_element_type3A_150, %cond3A_151 : i32
      scf.if %cond3A_152 {
        %convert_element_type3A_206 = arith.extui %eq3A_149 : i1 to i32
        %cond3A_207 = arith.constant 0 : i32
        %cond3A_208 = arith.cmpi ne, %convert_element_type3A_206, %cond3A_207 : i32
        scf.if %cond3A_208 {
          %and3A_235 = arith.constant 1 : i32
          %and3A_236 = arith.andi %while3A_143, %and3A_235 : i32
          %and3A_237 = arith.constant 7 : i32
          %and3A_238 = arith.andi %while3A_143, %and3A_237 : i32
          %mul3A_239 = arith.constant 128 : i32
          %mul3A_240 = arith.muli %and3A_238, %mul3A_239 : i32
          %dma_wait3A_241 = arith.constant 0 : i32
          %dma_wait3A_242 = arith.constant 0 : i32
          %dma_wait3A_243 = tpu.memref_slice %arg12[%and3A_236, %dma_wait3A_241, %dma_wait3A_242] : memref<2x128x128xbf16, #tpu.memory_space<vmem>> -> memref<1x128x128xbf16, #tpu.memory_space<vmem>>
          %dma_wait3A_244 = tpu.memref_squeeze %dma_wait3A_243 : memref<1x128x128xbf16, #tpu.memory_space<vmem>> -> memref<128x128xbf16, #tpu.memory_space<vmem>>
          %dma_wait3A_245 = tpu.memref_slice %arg9[%mul3A_240] : memref<1024xi32, #tpu.memory_space<vmem>> -> memref<128xi32, #tpu.memory_space<vmem>>
          %dma_wait3A_246 = arith.constant 0 : i32
          %dma_wait3A_247 = arith.constant 0 : i32
          %dma_wait3A_248 = tpu.memref_slice %arg2[%dma_wait3A_246, %dma_wait3A_247] : memref<10000x128xbf16, #tpu.memory_space<hbm>> -> memref<10000x128xbf16, #tpu.memory_space<hbm>>
          %dma_wait3A_249 = tpu.memref_slice %arg16[%and3A_236] : memref<2x!tpu.dma_semaphore, #tpu.memory_space<semaphore_mem>> -> memref<1x!tpu.dma_semaphore, #tpu.memory_space<semaphore_mem>>
          %dma_wait3A_250 = tpu.memref_squeeze %dma_wait3A_249 : memref<1x!tpu.dma_semaphore, #tpu.memory_space<semaphore_mem>> -> memref<!tpu.dma_semaphore, #tpu.memory_space<semaphore_mem>>
          tpu.wait_indirect_dma semaphore(%dma_wait3A_250 : memref<!tpu.dma_semaphore, #tpu.memory_space<semaphore_mem>>) src(%dma_wait3A_248 : memref<10000x128xbf16, #tpu.memory_space<hbm>>) dst(%dma_wait3A_244 : memref<128x128xbf16, #tpu.memory_space<vmem>>)
          %dma_wait3A_251 = arith.constant 0 : i32
          %dma_wait3A_252 = arith.constant 0 : i32
          %dma_wait3A_253 = tpu.memref_slice %arg13[%and3A_236, %dma_wait3A_251, %dma_wait3A_252] : memref<2x128x128xbf16, #tpu.memory_space<vmem>> -> memref<1x128x128xbf16, #tpu.memory_space<vmem>>
          %dma_wait3A_254 = tpu.memref_squeeze %dma_wait3A_253 : memref<1x128x128xbf16, #tpu.memory_space<vmem>> -> memref<128x128xbf16, #tpu.memory_space<vmem>>
          %dma_wait3A_255 = tpu.memref_slice %arg10[%mul3A_240] : memref<1024xi32, #tpu.memory_space<vmem>> -> memref<128xi32, #tpu.memory_space<vmem>>
          %dma_wait3A_256 = arith.constant 0 : i32
          %dma_wait3A_257 = arith.constant 0 : i32
          %dma_wait3A_258 = tpu.memref_slice %arg3[%dma_wait3A_256, %dma_wait3A_257] : memref<10000x128xbf16, #tpu.memory_space<hbm>> -> memref<10000x128xbf16, #tpu.memory_space<hbm>>
          %dma_wait3A_259 = tpu.memref_slice %arg16[%and3A_236] : memref<2x!tpu.dma_semaphore, #tpu.memory_space<semaphore_mem>> -> memref<1x!tpu.dma_semaphore, #tpu.memory_space<semaphore_mem>>
          %dma_wait3A_260 = tpu.memref_squeeze %dma_wait3A_259 : memref<1x!tpu.dma_semaphore, #tpu.memory_space<semaphore_mem>> -> memref<!tpu.dma_semaphore, #tpu.memory_space<semaphore_mem>>
          tpu.wait_indirect_dma semaphore(%dma_wait3A_260 : memref<!tpu.dma_semaphore, #tpu.memory_space<semaphore_mem>>) src(%dma_wait3A_258 : memref<10000x128xbf16, #tpu.memory_space<hbm>>) dst(%dma_wait3A_254 : memref<128x128xbf16, #tpu.memory_space<vmem>>)
          %add3A_261 = arith.addi %mul3A_6, %add3A_145 : i32
          %mul3A_262 = arith.constant 128 : i32
          %mul3A_263 = arith.muli %add3A_261, %mul3A_262 : i32
          %multiple_of3A_264 = tpu.assume_multiple %mul3A_263, 8 : i32
          "tpu.region"() ({
            %run_scoped3A_293 = tpu.sem_alloc : memref<!tpu.dma_semaphore, #tpu.memory_space<semaphore_mem>>
            %dma_start3A_294 = tpu.memref_slice %arg4[%multiple_of3A_264] : memref<327680xi32, #tpu.memory_space<hbm>> -> memref<1024xi32, #tpu.memory_space<hbm>>
            %dma_start3A_295 = tpu.memref_slice %arg4[%multiple_of3A_264] : memref<327680xi32, #tpu.memory_space<hbm>> -> memref<1024xi32, #tpu.memory_space<hbm>>
            tpu.enqueue_dma source(%dma_start3A_295 : memref<1024xi32, #tpu.memory_space<hbm>>) target(%arg9 : memref<1024xi32, #tpu.memory_space<vmem>>) target_semaphore(%run_scoped3A_293 : memref<!tpu.dma_semaphore, #tpu.memory_space<semaphore_mem>>)
            %dma_wait3A_296 = tpu.memref_slice %arg4[%multiple_of3A_264] : memref<327680xi32, #tpu.memory_space<hbm>> -> memref<1024xi32, #tpu.memory_space<hbm>>
            %dma_wait3A_297 = tpu.memref_slice %arg4[%multiple_of3A_264] : memref<327680xi32, #tpu.memory_space<hbm>> -> memref<1024xi32, #tpu.memory_space<hbm>>
            tpu.wait_dma2 semaphore(%run_scoped3A_293 : memref<!tpu.dma_semaphore, #tpu.memory_space<semaphore_mem>>) src(%dma_wait3A_297 : memref<1024xi32, #tpu.memory_space<hbm>>) dst(%arg9 : memref<1024xi32, #tpu.memory_space<vmem>>)
            tpu.yield
          }) : () -> ()
          "tpu.region"() ({
            %run_scoped3A_293 = tpu.sem_alloc : memref<!tpu.dma_semaphore, #tpu.memory_space<semaphore_mem>>
            %dma_start3A_294 = tpu.memref_slice %arg5[%multiple_of3A_264] : memref<327680xi32, #tpu.memory_space<hbm>> -> memref<1024xi32, #tpu.memory_space<hbm>>
            %dma_start3A_295 = tpu.memref_slice %arg5[%multiple_of3A_264] : memref<327680xi32, #tpu.memory_space<hbm>> -> memref<1024xi32, #tpu.memory_space<hbm>>
            tpu.enqueue_dma source(%dma_start3A_295 : memref<1024xi32, #tpu.memory_space<hbm>>) target(%arg10 : memref<1024xi32, #tpu.memory_space<vmem>>) target_semaphore(%run_scoped3A_293 : memref<!tpu.dma_semaphore, #tpu.memory_space<semaphore_mem>>)
            %dma_wait3A_296 = tpu.memref_slice %arg5[%multiple_of3A_264] : memref<327680xi32, #tpu.memory_space<hbm>> -> memref<1024xi32, #tpu.memory_space<hbm>>
            %dma_wait3A_297 = tpu.memref_slice %arg5[%multiple_of3A_264] : memref<327680xi32, #tpu.memory_space<hbm>> -> memref<1024xi32, #tpu.memory_space<hbm>>
            tpu.wait_dma2 semaphore(%run_scoped3A_293 : memref<!tpu.dma_semaphore, #tpu.memory_space<semaphore_mem>>) src(%dma_wait3A_297 : memref<1024xi32, #tpu.memory_space<hbm>>) dst(%arg10 : memref<1024xi32, #tpu.memory_space<vmem>>)
            tpu.yield
          }) : () -> ()
          %add3A_265 = arith.addi %mul3A_6, %add3A_145 : i32
          %multiple_of3A_266 = tpu.assume_multiple %add3A_265, 8 : i32
          %jit3A_267 = arith.constant 8 : i32
          %div3A_268 = arith.divsi %add3A_145, %jit3A_267 : i32
          %sign3A_269 = arith.constant 0 : i32
          %sign3A_270 = arith.cmpi sgt, %add3A_145, %sign3A_269 : i32
          %sign3A_271 = arith.extui %sign3A_270 : i1 to i32
          %sign3A_272 = arith.constant 0 : i32
          %sign3A_273 = arith.cmpi slt, %add3A_145, %sign3A_272 : i32
          %sign3A_274 = arith.extui %sign3A_273 : i1 to i32
          %sign3A_275 = arith.subi %sign3A_271, %sign3A_274 : i32
          %sign3A_276 = arith.constant 0 : i32
          %sign3A_277 = arith.cmpi sgt, %jit3A_267, %sign3A_276 : i32
          %sign3A_278 = arith.extui %sign3A_277 : i1 to i32
          %sign3A_279 = arith.constant 0 : i32
          %sign3A_280 = arith.cmpi slt, %jit3A_267, %sign3A_279 : i32
          %sign3A_281 = arith.extui %sign3A_280 : i1 to i32
          %sign3A_282 = arith.subi %sign3A_278, %sign3A_281 : i32
          %ne3A_283 = arith.cmpi ne, %sign3A_275, %sign3A_282 : i32
          %rem3A_284 = arith.remsi %add3A_145, %jit3A_267 : i32
          %ne3A_285 = arith.constant 0 : i32
          %ne3A_286 = arith.cmpi ne, %rem3A_284, %ne3A_285 : i32
          %and3A_287 = arith.andi %ne3A_283, %ne3A_286 : i1
          %sub3A_288 = arith.constant 1 : i32
          %sub3A_289 = arith.subi %div3A_268, %sub3A_288 : i32
          %select_n3A_290 = arith.select %and3A_287, %sub3A_289, %div3A_268 : i32
          %and3A_291 = arith.constant 1 : i32
          %and3A_292 = arith.andi %select_n3A_290, %and3A_291 : i32
          "tpu.region"() ({
            %run_scoped3A_293 = tpu.sem_alloc : memref<!tpu.dma_semaphore, #tpu.memory_space<semaphore_mem>>
            %dma_start3A_294 = arith.constant 0 : i32
            %dma_start3A_295 = arith.constant 0 : i32
            %dma_start3A_296 = tpu.memref_slice %arg11[%and3A_292, %dma_start3A_294, %dma_start3A_295] : memref<2x8x128xi32, #tpu.memory_space<vmem>> -> memref<1x8x128xi32, #tpu.memory_space<vmem>>
            %dma_start3A_297 = tpu.memref_squeeze %dma_start3A_296 : memref<1x8x128xi32, #tpu.memory_space<vmem>> -> memref<8x128xi32, #tpu.memory_space<vmem>>
            %dma_start3A_298 = arith.constant 0 : i32
            %dma_start3A_299 = tpu.memref_slice %arg6[%multiple_of3A_266, %dma_start3A_298] : memref<2560x128xi32, #tpu.memory_space<hbm>> -> memref<8x128xi32, #tpu.memory_space<hbm>>
            %dma_start3A_300 = arith.constant 0 : i32
            %dma_start3A_301 = arith.constant 0 : i32
            %dma_start3A_302 = tpu.memref_slice %arg11[%and3A_292, %dma_start3A_300, %dma_start3A_301] : memref<2x8x128xi32, #tpu.memory_space<vmem>> -> memref<1x8x128xi32, #tpu.memory_space<vmem>>
            %dma_start3A_303 = tpu.memref_squeeze %dma_start3A_302 : memref<1x8x128xi32, #tpu.memory_space<vmem>> -> memref<8x128xi32, #tpu.memory_space<vmem>>
            %dma_start3A_304 = arith.constant 0 : i32
            %dma_start3A_305 = tpu.memref_slice %arg6[%multiple_of3A_266, %dma_start3A_304] : memref<2560x128xi32, #tpu.memory_space<hbm>> -> memref<8x128xi32, #tpu.memory_space<hbm>>
            tpu.enqueue_dma source(%dma_start3A_305 : memref<8x128xi32, #tpu.memory_space<hbm>>) target(%dma_start3A_303 : memref<8x128xi32, #tpu.memory_space<vmem>>) target_semaphore(%run_scoped3A_293 : memref<!tpu.dma_semaphore, #tpu.memory_space<semaphore_mem>>)
            %dma_wait3A_306 = arith.constant 0 : i32
            %dma_wait3A_307 = arith.constant 0 : i32
            %dma_wait3A_308 = tpu.memref_slice %arg11[%and3A_292, %dma_wait3A_306, %dma_wait3A_307] : memref<2x8x128xi32, #tpu.memory_space<vmem>> -> memref<1x8x128xi32, #tpu.memory_space<vmem>>
            %dma_wait3A_309 = tpu.memref_squeeze %dma_wait3A_308 : memref<1x8x128xi32, #tpu.memory_space<vmem>> -> memref<8x128xi32, #tpu.memory_space<vmem>>
            %dma_wait3A_310 = arith.constant 0 : i32
            %dma_wait3A_311 = tpu.memref_slice %arg6[%multiple_of3A_266, %dma_wait3A_310] : memref<2560x128xi32, #tpu.memory_space<hbm>> -> memref<8x128xi32, #tpu.memory_space<hbm>>
            %dma_wait3A_312 = arith.constant 0 : i32
            %dma_wait3A_313 = arith.constant 0 : i32
            %dma_wait3A_314 = tpu.memref_slice %arg11[%and3A_292, %dma_wait3A_312, %dma_wait3A_313] : memref<2x8x128xi32, #tpu.memory_space<vmem>> -> memref<1x8x128xi32, #tpu.memory_space<vmem>>
            %dma_wait3A_315 = tpu.memref_squeeze %dma_wait3A_314 : memref<1x8x128xi32, #tpu.memory_space<vmem>> -> memref<8x128xi32, #tpu.memory_space<vmem>>
            %dma_wait3A_316 = arith.constant 0 : i32
            %dma_wait3A_317 = tpu.memref_slice %arg6[%multiple_of3A_266, %dma_wait3A_316] : memref<2560x128xi32, #tpu.memory_space<hbm>> -> memref<8x128xi32, #tpu.memory_space<hbm>>
            tpu.wait_dma2 semaphore(%run_scoped3A_293 : memref<!tpu.dma_semaphore, #tpu.memory_space<semaphore_mem>>) src(%dma_wait3A_317 : memref<8x128xi32, #tpu.memory_space<hbm>>) dst(%dma_wait3A_315 : memref<8x128xi32, #tpu.memory_space<vmem>>)
            tpu.yield
          }) : () -> ()
        } else {
        }
        %and3A_209 = arith.constant 1 : i32
        %and3A_210 = arith.andi %add3A_145, %and3A_209 : i32
        %and3A_211 = arith.constant 7 : i32
        %and3A_212 = arith.andi %add3A_145, %and3A_211 : i32
        %mul3A_213 = arith.constant 128 : i32
        %mul3A_214 = arith.muli %and3A_212, %mul3A_213 : i32
        %dma_start3A_215 = arith.constant 0 : i32
        %dma_start3A_216 = arith.constant 0 : i32
        %dma_start3A_217 = tpu.memref_slice %arg12[%and3A_210, %dma_start3A_215, %dma_start3A_216] : memref<2x128x128xbf16, #tpu.memory_space<vmem>> -> memref<1x128x128xbf16, #tpu.memory_space<vmem>>
        %dma_start3A_218 = tpu.memref_squeeze %dma_start3A_217 : memref<1x128x128xbf16, #tpu.memory_space<vmem>> -> memref<128x128xbf16, #tpu.memory_space<vmem>>
        %dma_start3A_219 = tpu.memref_slice %arg9[%mul3A_214] : memref<1024xi32, #tpu.memory_space<vmem>> -> memref<128xi32, #tpu.memory_space<vmem>>
        %dma_start3A_220 = arith.constant 0 : i32
        %dma_start3A_221 = arith.constant 0 : i32
        %dma_start3A_222 = tpu.memref_slice %arg2[%dma_start3A_220, %dma_start3A_221] : memref<10000x128xbf16, #tpu.memory_space<hbm>> -> memref<10000x128xbf16, #tpu.memory_space<hbm>>
        %dma_start3A_223 = tpu.memref_slice %arg16[%and3A_210] : memref<2x!tpu.dma_semaphore, #tpu.memory_space<semaphore_mem>> -> memref<1x!tpu.dma_semaphore, #tpu.memory_space<semaphore_mem>>
        %dma_start3A_224 = tpu.memref_squeeze %dma_start3A_223 : memref<1x!tpu.dma_semaphore, #tpu.memory_space<semaphore_mem>> -> memref<!tpu.dma_semaphore, #tpu.memory_space<semaphore_mem>>
        tpu.enqueue_indirect_dma source(%dma_start3A_222 : memref<10000x128xbf16, #tpu.memory_space<hbm>>) target(%dma_start3A_218 : memref<128x128xbf16, #tpu.memory_space<vmem>>) offsets(%dma_start3A_219 : memref<128xi32, #tpu.memory_space<vmem>>) semaphore(%dma_start3A_224 : memref<!tpu.dma_semaphore, #tpu.memory_space<semaphore_mem>>)
        %dma_start3A_225 = arith.constant 0 : i32
        %dma_start3A_226 = arith.constant 0 : i32
        %dma_start3A_227 = tpu.memref_slice %arg13[%and3A_210, %dma_start3A_225, %dma_start3A_226] : memref<2x128x128xbf16, #tpu.memory_space<vmem>> -> memref<1x128x128xbf16, #tpu.memory_space<vmem>>
        %dma_start3A_228 = tpu.memref_squeeze %dma_start3A_227 : memref<1x128x128xbf16, #tpu.memory_space<vmem>> -> memref<128x128xbf16, #tpu.memory_space<vmem>>
        %dma_start3A_229 = tpu.memref_slice %arg10[%mul3A_214] : memref<1024xi32, #tpu.memory_space<vmem>> -> memref<128xi32, #tpu.memory_space<vmem>>
        %dma_start3A_230 = arith.constant 0 : i32
        %dma_start3A_231 = arith.constant 0 : i32
        %dma_start3A_232 = tpu.memref_slice %arg3[%dma_start3A_230, %dma_start3A_231] : memref<10000x128xbf16, #tpu.memory_space<hbm>> -> memref<10000x128xbf16, #tpu.memory_space<hbm>>
        %dma_start3A_233 = tpu.memref_slice %arg16[%and3A_210] : memref<2x!tpu.dma_semaphore, #tpu.memory_space<semaphore_mem>> -> memref<1x!tpu.dma_semaphore, #tpu.memory_space<semaphore_mem>>
        %dma_start3A_234 = tpu.memref_squeeze %dma_start3A_233 : memref<1x!tpu.dma_semaphore, #tpu.memory_space<semaphore_mem>> -> memref<!tpu.dma_semaphore, #tpu.memory_space<semaphore_mem>>
        tpu.enqueue_indirect_dma source(%dma_start3A_232 : memref<10000x128xbf16, #tpu.memory_space<hbm>>) target(%dma_start3A_228 : memref<128x128xbf16, #tpu.memory_space<vmem>>) offsets(%dma_start3A_229 : memref<128xi32, #tpu.memory_space<vmem>>) semaphore(%dma_start3A_234 : memref<!tpu.dma_semaphore, #tpu.memory_space<semaphore_mem>>)
      } else {
      }
      %and3A_153 = arith.andi %lt3A, %eq3A_149 : i1
      %not3A = arith.constant true
      %not3A_154 = arith.xori %and3A_153, %not3A : i1
      %convert_element_type3A_155 = arith.extui %not3A_154 : i1 to i32
      %cond3A_156 = arith.constant 0 : i32
      %cond3A_157 = arith.cmpi ne, %convert_element_type3A_155, %cond3A_156 : i32
      scf.if %cond3A_157 {
        %and3A_206 = arith.constant 1 : i32
        %and3A_207 = arith.andi %while3A_143, %and3A_206 : i32
        %and3A_208 = arith.constant 7 : i32
        %and3A_209 = arith.andi %while3A_143, %and3A_208 : i32
        %mul3A_210 = arith.constant 128 : i32
        %mul3A_211 = arith.muli %and3A_209, %mul3A_210 : i32
        %dma_wait3A_212 = arith.constant 0 : i32
        %dma_wait3A_213 = arith.constant 0 : i32
        %dma_wait3A_214 = tpu.memref_slice %arg12[%and3A_207, %dma_wait3A_212, %dma_wait3A_213] : memref<2x128x128xbf16, #tpu.memory_space<vmem>> -> memref<1x128x128xbf16, #tpu.memory_space<vmem>>
        %dma_wait3A_215 = tpu.memref_squeeze %dma_wait3A_214 : memref<1x128x128xbf16, #tpu.memory_space<vmem>> -> memref<128x128xbf16, #tpu.memory_space<vmem>>
        %dma_wait3A_216 = tpu.memref_slice %arg9[%mul3A_211] : memref<1024xi32, #tpu.memory_space<vmem>> -> memref<128xi32, #tpu.memory_space<vmem>>
        %dma_wait3A_217 = arith.constant 0 : i32
        %dma_wait3A_218 = arith.constant 0 : i32
        %dma_wait3A_219 = tpu.memref_slice %arg2[%dma_wait3A_217, %dma_wait3A_218] : memref<10000x128xbf16, #tpu.memory_space<hbm>> -> memref<10000x128xbf16, #tpu.memory_space<hbm>>
        %dma_wait3A_220 = tpu.memref_slice %arg16[%and3A_207] : memref<2x!tpu.dma_semaphore, #tpu.memory_space<semaphore_mem>> -> memref<1x!tpu.dma_semaphore, #tpu.memory_space<semaphore_mem>>
        %dma_wait3A_221 = tpu.memref_squeeze %dma_wait3A_220 : memref<1x!tpu.dma_semaphore, #tpu.memory_space<semaphore_mem>> -> memref<!tpu.dma_semaphore, #tpu.memory_space<semaphore_mem>>
        tpu.wait_indirect_dma semaphore(%dma_wait3A_221 : memref<!tpu.dma_semaphore, #tpu.memory_space<semaphore_mem>>) src(%dma_wait3A_219 : memref<10000x128xbf16, #tpu.memory_space<hbm>>) dst(%dma_wait3A_215 : memref<128x128xbf16, #tpu.memory_space<vmem>>)
        %dma_wait3A_222 = arith.constant 0 : i32
        %dma_wait3A_223 = arith.constant 0 : i32
        %dma_wait3A_224 = tpu.memref_slice %arg13[%and3A_207, %dma_wait3A_222, %dma_wait3A_223] : memref<2x128x128xbf16, #tpu.memory_space<vmem>> -> memref<1x128x128xbf16, #tpu.memory_space<vmem>>
        %dma_wait3A_225 = tpu.memref_squeeze %dma_wait3A_224 : memref<1x128x128xbf16, #tpu.memory_space<vmem>> -> memref<128x128xbf16, #tpu.memory_space<vmem>>
        %dma_wait3A_226 = tpu.memref_slice %arg10[%mul3A_211] : memref<1024xi32, #tpu.memory_space<vmem>> -> memref<128xi32, #tpu.memory_space<vmem>>
        %dma_wait3A_227 = arith.constant 0 : i32
        %dma_wait3A_228 = arith.constant 0 : i32
        %dma_wait3A_229 = tpu.memref_slice %arg3[%dma_wait3A_227, %dma_wait3A_228] : memref<10000x128xbf16, #tpu.memory_space<hbm>> -> memref<10000x128xbf16, #tpu.memory_space<hbm>>
        %dma_wait3A_230 = tpu.memref_slice %arg16[%and3A_207] : memref<2x!tpu.dma_semaphore, #tpu.memory_space<semaphore_mem>> -> memref<1x!tpu.dma_semaphore, #tpu.memory_space<semaphore_mem>>
        %dma_wait3A_231 = tpu.memref_squeeze %dma_wait3A_230 : memref<1x!tpu.dma_semaphore, #tpu.memory_space<semaphore_mem>> -> memref<!tpu.dma_semaphore, #tpu.memory_space<semaphore_mem>>
        tpu.wait_indirect_dma semaphore(%dma_wait3A_231 : memref<!tpu.dma_semaphore, #tpu.memory_space<semaphore_mem>>) src(%dma_wait3A_229 : memref<10000x128xbf16, #tpu.memory_space<hbm>>) dst(%dma_wait3A_225 : memref<128x128xbf16, #tpu.memory_space<vmem>>)
      } else {
      }
      %ge3A = arith.constant 2 : i32
      %ge3A_158 = arith.cmpi sge, %while3A_143, %ge3A : i32
      %convert_element_type3A_159 = arith.extui %ge3A_158 : i1 to i32
      %cond3A_160 = arith.constant 0 : i32
      %cond3A_161 = arith.cmpi ne, %convert_element_type3A_159, %cond3A_160 : i32
      scf.if %cond3A_161 {
        %sub3A_206 = arith.constant 2 : i32
        %sub3A_207 = arith.subi %while3A_143, %sub3A_206 : i32
        %and3A_208 = arith.constant 1 : i32
        %and3A_209 = arith.andi %sub3A_207, %and3A_208 : i32
        %jit3A_210 = arith.constant 8 : i32
        %div3A_211 = arith.divsi %sub3A_207, %jit3A_210 : i32
        %sign3A_212 = arith.constant 0 : i32
        %sign3A_213 = arith.cmpi sgt, %sub3A_207, %sign3A_212 : i32
        %sign3A_214 = arith.extui %sign3A_213 : i1 to i32
        %sign3A_215 = arith.constant 0 : i32
        %sign3A_216 = arith.cmpi slt, %sub3A_207, %sign3A_215 : i32
        %sign3A_217 = arith.extui %sign3A_216 : i1 to i32
        %sign3A_218 = arith.subi %sign3A_214, %sign3A_217 : i32
        %sign3A_219 = arith.constant 0 : i32
        %sign3A_220 = arith.cmpi sgt, %jit3A_210, %sign3A_219 : i32
        %sign3A_221 = arith.extui %sign3A_220 : i1 to i32
        %sign3A_222 = arith.constant 0 : i32
        %sign3A_223 = arith.cmpi slt, %jit3A_210, %sign3A_222 : i32
        %sign3A_224 = arith.extui %sign3A_223 : i1 to i32
        %sign3A_225 = arith.subi %sign3A_221, %sign3A_224 : i32
        %ne3A_226 = arith.cmpi ne, %sign3A_218, %sign3A_225 : i32
        %rem3A_227 = arith.remsi %sub3A_207, %jit3A_210 : i32
        %ne3A_228 = arith.constant 0 : i32
        %ne3A_229 = arith.cmpi ne, %rem3A_227, %ne3A_228 : i32
        %and3A_230 = arith.andi %ne3A_226, %ne3A_229 : i1
        %sub3A_231 = arith.constant 1 : i32
        %sub3A_232 = arith.subi %div3A_211, %sub3A_231 : i32
        %select_n3A_233 = arith.select %and3A_230, %sub3A_232, %div3A_211 : i32
        %and3A_234 = arith.constant 1 : i32
        %and3A_235 = arith.andi %select_n3A_233, %and3A_234 : i32
        %and3A_236 = arith.constant 7 : i32
        %and3A_237 = arith.andi %sub3A_207, %and3A_236 : i32
        %and3A_238 = arith.constant 1 : i32
        %and3A_239 = arith.andi %sub3A_207, %and3A_238 : i32
        %dma_wait3A_240 = arith.constant 0 : i32
        %dma_wait3A_241 = arith.constant 0 : i32
        %dma_wait3A_242 = tpu.memref_slice %arg14[%and3A_209, %dma_wait3A_240, %dma_wait3A_241] : memref<2x128x128xbf16, #tpu.memory_space<vmem>> -> memref<1x128x128xbf16, #tpu.memory_space<vmem>>
        %dma_wait3A_243 = tpu.memref_squeeze %dma_wait3A_242 : memref<1x128x128xbf16, #tpu.memory_space<vmem>> -> memref<128x128xbf16, #tpu.memory_space<vmem>>
        %dma_wait3A_244 = arith.constant 0 : i32
        %dma_wait3A_245 = tpu.memref_slice %arg11[%and3A_235, %and3A_237, %dma_wait3A_244] : memref<2x8x128xi32, #tpu.memory_space<vmem>> -> memref<1x1x128xi32, #tpu.memory_space<vmem>>
        %dma_wait3A_246 = tpu.memref_squeeze %dma_wait3A_245 : memref<1x1x128xi32, #tpu.memory_space<vmem>> -> memref<128xi32, #tpu.memory_space<vmem>>
        %dma_wait3A_247 = arith.constant 0 : i32
        %dma_wait3A_248 = arith.constant 0 : i32
        %dma_wait3A_249 = tpu.memref_slice %arg15[%dma_wait3A_247, %dma_wait3A_248] : memref<10000x128xbf16, #tpu.memory_space<vmem_shared>> -> memref<10000x128xbf16, #tpu.memory_space<vmem_shared>>
        %dma_wait3A_250 = tpu.memref_slice %arg17[%and3A_239] : memref<2x!tpu.dma_semaphore, #tpu.memory_space<semaphore_mem>> -> memref<1x!tpu.dma_semaphore, #tpu.memory_space<semaphore_mem>>
        %dma_wait3A_251 = tpu.memref_squeeze %dma_wait3A_250 : memref<1x!tpu.dma_semaphore, #tpu.memory_space<semaphore_mem>> -> memref<!tpu.dma_semaphore, #tpu.memory_space<semaphore_mem>>
        tpu.wait_indirect_dma semaphore(%dma_wait3A_251 : memref<!tpu.dma_semaphore, #tpu.memory_space<semaphore_mem>>) src(%dma_wait3A_243 : memref<128x128xbf16, #tpu.memory_space<vmem>>) dst(%dma_wait3A_249 : memref<10000x128xbf16, #tpu.memory_space<vmem_shared>>)
      } else {
      }
      %and3A_162 = arith.constant 1 : i32
      %and3A_163 = arith.andi %while3A_143, %and3A_162 : i32
      %parallel_loop3A = arith.constant 0 : i32
      %parallel_loop3A_164 = arith.constant 128 : i32
      %parallel_loop3A_165 = arith.constant 1 : i32
      scf.for %parallel_loop3A_206 = %parallel_loop3A to %parallel_loop3A_164 step %parallel_loop3A_165  : i32 {
        %parallel_loop3A_207 = arith.index_cast %and3A_163 : i32 to index
        %parallel_loop3A_208 = arith.index_cast %parallel_loop3A_206 : i32 to index
        %parallel_loop3A_209 = arith.constant 0 : index
        %parallel_loop3A_210 = tpu.vector_load %arg12[%parallel_loop3A_207, %parallel_loop3A_208, %parallel_loop3A_209] {strides = array<i32>} : memref<2x128x128xbf16, #tpu.memory_space<vmem>>, vector<1x1x32xbf16>,
        %parallel_loop3A_211 = vector.shape_cast %parallel_loop3A_210 : vector<1x1x32xbf16> to vector<32xbf16>
        %parallel_loop3A_212 = arith.index_cast %and3A_163 : i32 to index
        %parallel_loop3A_213 = arith.index_cast %parallel_loop3A_206 : i32 to index
        %parallel_loop3A_214 = arith.constant 0 : index
        %parallel_loop3A_215 = tpu.vector_load %arg13[%parallel_loop3A_212, %parallel_loop3A_213, %parallel_loop3A_214] {strides = array<i32>} : memref<2x128x128xbf16, #tpu.memory_space<vmem>>, vector<1x1x32xbf16>,
        %parallel_loop3A_216 = vector.shape_cast %parallel_loop3A_215 : vector<1x1x32xbf16> to vector<32xbf16>
        %parallel_loop3A_217 = arith.mulf %parallel_loop3A_211, %parallel_loop3A_216 : vector<32xbf16>
        %parallel_loop3A_218 = arith.index_cast %and3A_163 : i32 to index
        %parallel_loop3A_219 = arith.index_cast %parallel_loop3A_206 : i32 to index
        %parallel_loop3A_220 = arith.constant 0 : index
        %parallel_loop3A_221 = tpu.vector_load %arg14[%parallel_loop3A_218, %parallel_loop3A_219, %parallel_loop3A_220] {strides = array<i32>} : memref<2x128x128xbf16, #tpu.memory_space<vmem>>, vector<1x1x32xbf16>,
        %parallel_loop3A_222 = vector.shape_cast %parallel_loop3A_221 : vector<1x1x32xbf16> to vector<32xbf16>
        %parallel_loop3A_223 = vector.shape_cast %parallel_loop3A_217 : vector<32xbf16> to vector<1x1x32xbf16>
        tpu.vector_store %arg14[%parallel_loop3A_218, %parallel_loop3A_219, %parallel_loop3A_220], %parallel_loop3A_223 {strides = array<i32>} : memref<2x128x128xbf16, #tpu.memory_space<vmem>>, vector<1x1x32xbf16>,
        %parallel_loop3A_224 = arith.index_cast %and3A_163 : i32 to index
        %parallel_loop3A_225 = arith.index_cast %parallel_loop3A_206 : i32 to index
        %parallel_loop3A_226 = arith.constant 32 : index
        %parallel_loop3A_227 = tpu.vector_load %arg12[%parallel_loop3A_224, %parallel_loop3A_225, %parallel_loop3A_226] {strides = array<i32>} : memref<2x128x128xbf16, #tpu.memory_space<vmem>>, vector<1x1x32xbf16>,
        %parallel_loop3A_228 = vector.shape_cast %parallel_loop3A_227 : vector<1x1x32xbf16> to vector<32xbf16>
        %parallel_loop3A_229 = arith.index_cast %and3A_163 : i32 to index
        %parallel_loop3A_230 = arith.index_cast %parallel_loop3A_206 : i32 to index
        %parallel_loop3A_231 = arith.constant 32 : index
        %parallel_loop3A_232 = tpu.vector_load %arg13[%parallel_loop3A_229, %parallel_loop3A_230, %parallel_loop3A_231] {strides = array<i32>} : memref<2x128x128xbf16, #tpu.memory_space<vmem>>, vector<1x1x32xbf16>,
        %parallel_loop3A_233 = vector.shape_cast %parallel_loop3A_232 : vector<1x1x32xbf16> to vector<32xbf16>
        %parallel_loop3A_234 = arith.mulf %parallel_loop3A_228, %parallel_loop3A_233 : vector<32xbf16>
        %parallel_loop3A_235 = arith.index_cast %and3A_163 : i32 to index
        %parallel_loop3A_236 = arith.index_cast %parallel_loop3A_206 : i32 to index
        %parallel_loop3A_237 = arith.constant 32 : index
        %parallel_loop3A_238 = tpu.vector_load %arg14[%parallel_loop3A_235, %parallel_loop3A_236, %parallel_loop3A_237] {strides = array<i32>} : memref<2x128x128xbf16, #tpu.memory_space<vmem>>, vector<1x1x32xbf16>,
        %parallel_loop3A_239 = vector.shape_cast %parallel_loop3A_238 : vector<1x1x32xbf16> to vector<32xbf16>
        %parallel_loop3A_240 = vector.shape_cast %parallel_loop3A_234 : vector<32xbf16> to vector<1x1x32xbf16>
        tpu.vector_store %arg14[%parallel_loop3A_235, %parallel_loop3A_236, %parallel_loop3A_237], %parallel_loop3A_240 {strides = array<i32>} : memref<2x128x128xbf16, #tpu.memory_space<vmem>>, vector<1x1x32xbf16>,
        %parallel_loop3A_241 = arith.index_cast %and3A_163 : i32 to index
        %parallel_loop3A_242 = arith.index_cast %parallel_loop3A_206 : i32 to index
        %parallel_loop3A_243 = arith.constant 64 : index
        %parallel_loop3A_244 = tpu.vector_load %arg12[%parallel_loop3A_241, %parallel_loop3A_242, %parallel_loop3A_243] {strides = array<i32>} : memref<2x128x128xbf16, #tpu.memory_space<vmem>>, vector<1x1x32xbf16>,
        %parallel_loop3A_245 = vector.shape_cast %parallel_loop3A_244 : vector<1x1x32xbf16> to vector<32xbf16>
        %parallel_loop3A_246 = arith.index_cast %and3A_163 : i32 to index
        %parallel_loop3A_247 = arith.index_cast %parallel_loop3A_206 : i32 to index
        %parallel_loop3A_248 = arith.constant 64 : index
        %parallel_loop3A_249 = tpu.vector_load %arg13[%parallel_loop3A_246, %parallel_loop3A_247, %parallel_loop3A_248] {strides = array<i32>} : memref<2x128x128xbf16, #tpu.memory_space<vmem>>, vector<1x1x32xbf16>,
        %parallel_loop3A_250 = vector.shape_cast %parallel_loop3A_249 : vector<1x1x32xbf16> to vector<32xbf16>
        %parallel_loop3A_251 = arith.mulf %parallel_loop3A_245, %parallel_loop3A_250 : vector<32xbf16>
        %parallel_loop3A_252 = arith.index_cast %and3A_163 : i32 to index
        %parallel_loop3A_253 = arith.index_cast %parallel_loop3A_206 : i32 to index
        %parallel_loop3A_254 = arith.constant 64 : index
        %parallel_loop3A_255 = tpu.vector_load %arg14[%parallel_loop3A_252, %parallel_loop3A_253, %parallel_loop3A_254] {strides = array<i32>} : memref<2x128x128xbf16, #tpu.memory_space<vmem>>, vector<1x1x32xbf16>,
        %parallel_loop3A_256 = vector.shape_cast %parallel_loop3A_255 : vector<1x1x32xbf16> to vector<32xbf16>
        %parallel_loop3A_257 = vector.shape_cast %parallel_loop3A_251 : vector<32xbf16> to vector<1x1x32xbf16>
        tpu.vector_store %arg14[%parallel_loop3A_252, %parallel_loop3A_253, %parallel_loop3A_254], %parallel_loop3A_257 {strides = array<i32>} : memref<2x128x128xbf16, #tpu.memory_space<vmem>>, vector<1x1x32xbf16>,
        %parallel_loop3A_258 = arith.index_cast %and3A_163 : i32 to index
        %parallel_loop3A_259 = arith.index_cast %parallel_loop3A_206 : i32 to index
        %parallel_loop3A_260 = arith.constant 96 : index
        %parallel_loop3A_261 = tpu.vector_load %arg12[%parallel_loop3A_258, %parallel_loop3A_259, %parallel_loop3A_260] {strides = array<i32>} : memref<2x128x128xbf16, #tpu.memory_space<vmem>>, vector<1x1x32xbf16>,
        %parallel_loop3A_262 = vector.shape_cast %parallel_loop3A_261 : vector<1x1x32xbf16> to vector<32xbf16>
        %parallel_loop3A_263 = arith.index_cast %and3A_163 : i32 to index
        %parallel_loop3A_264 = arith.index_cast %parallel_loop3A_206 : i32 to index
        %parallel_loop3A_265 = arith.constant 96 : index
        %parallel_loop3A_266 = tpu.vector_load %arg13[%parallel_loop3A_263, %parallel_loop3A_264, %parallel_loop3A_265] {strides = array<i32>} : memref<2x128x128xbf16, #tpu.memory_space<vmem>>, vector<1x1x32xbf16>,
        %parallel_loop3A_267 = vector.shape_cast %parallel_loop3A_266 : vector<1x1x32xbf16> to vector<32xbf16>
        %parallel_loop3A_268 = arith.mulf %parallel_loop3A_262, %parallel_loop3A_267 : vector<32xbf16>
        %parallel_loop3A_269 = arith.index_cast %and3A_163 : i32 to index
        %parallel_loop3A_270 = arith.index_cast %parallel_loop3A_206 : i32 to index
        %parallel_loop3A_271 = arith.constant 96 : index
        %parallel_loop3A_272 = tpu.vector_load %arg14[%parallel_loop3A_269, %parallel_loop3A_270, %parallel_loop3A_271] {strides = array<i32>} : memref<2x128x128xbf16, #tpu.memory_space<vmem>>, vector<1x1x32xbf16>,
        %parallel_loop3A_273 = vector.shape_cast %parallel_loop3A_272 : vector<1x1x32xbf16> to vector<32xbf16>
        %parallel_loop3A_274 = vector.shape_cast %parallel_loop3A_268 : vector<32xbf16> to vector<1x1x32xbf16>
        tpu.vector_store %arg14[%parallel_loop3A_269, %parallel_loop3A_270, %parallel_loop3A_271], %parallel_loop3A_274 {strides = array<i32>} : memref<2x128x128xbf16, #tpu.memory_space<vmem>>, vector<1x1x32xbf16>,
      } {sc.loop_unroll_factor = 8 : i64, sc.parallel_access}
      %jit3A_166 = arith.constant 8 : i32
      %div3A_167 = arith.divsi %while3A_143, %jit3A_166 : i32
      %sign3A_168 = arith.constant 0 : i32
      %sign3A_169 = arith.cmpi sgt, %while3A_143, %sign3A_168 : i32
      %sign3A_170 = arith.extui %sign3A_169 : i1 to i32
      %sign3A_171 = arith.constant 0 : i32
      %sign3A_172 = arith.cmpi slt, %while3A_143, %sign3A_171 : i32
      %sign3A_173 = arith.extui %sign3A_172 : i1 to i32
      %sign3A_174 = arith.subi %sign3A_170, %sign3A_173 : i32
      %sign3A_175 = arith.constant 0 : i32
      %sign3A_176 = arith.cmpi sgt, %jit3A_166, %sign3A_175 : i32
      %sign3A_177 = arith.extui %sign3A_176 : i1 to i32
      %sign3A_178 = arith.constant 0 : i32
      %sign3A_179 = arith.cmpi slt, %jit3A_166, %sign3A_178 : i32
      %sign3A_180 = arith.extui %sign3A_179 : i1 to i32
      %sign3A_181 = arith.subi %sign3A_177, %sign3A_180 : i32
      %ne3A_182 = arith.cmpi ne, %sign3A_174, %sign3A_181 : i32
      %rem3A_183 = arith.remsi %while3A_143, %jit3A_166 : i32
      %ne3A_184 = arith.constant 0 : i32
      %ne3A_185 = arith.cmpi ne, %rem3A_183, %ne3A_184 : i32
      %and3A_186 = arith.andi %ne3A_182, %ne3A_185 : i1
      %sub3A_187 = arith.constant 1 : i32
      %sub3A_188 = arith.subi %div3A_167, %sub3A_187 : i32
      %select_n3A_189 = arith.select %and3A_186, %sub3A_188, %div3A_167 : i32
      %and3A_190 = arith.constant 1 : i32
      %and3A_191 = arith.andi %select_n3A_189, %and3A_190 : i32
      %and3A_192 = arith.constant 7 : i32
      %and3A_193 = arith.andi %while3A_143, %and3A_192 : i32
      %dma_start3A_194 = arith.constant 0 : i32
      %dma_start3A_195 = arith.constant 0 : i32
      %dma_start3A_196 = tpu.memref_slice %arg14[%and3A_163, %dma_start3A_194, %dma_start3A_195] : memref<2x128x128xbf16, #tpu.memory_space<vmem>> -> memref<1x128x128xbf16, #tpu.memory_space<vmem>>
      %dma_start3A_197 = tpu.memref_squeeze %dma_start3A_196 : memref<1x128x128xbf16, #tpu.memory_space<vmem>> -> memref<128x128xbf16, #tpu.memory_space<vmem>>
      %dma_start3A_198 = arith.constant 0 : i32
      %dma_start3A_199 = tpu.memref_slice %arg11[%and3A_191, %and3A_193, %dma_start3A_198] : memref<2x8x128xi32, #tpu.memory_space<vmem>> -> memref<1x1x128xi32, #tpu.memory_space<vmem>>
      %dma_start3A_200 = tpu.memref_squeeze %dma_start3A_199 : memref<1x1x128xi32, #tpu.memory_space<vmem>> -> memref<128xi32, #tpu.memory_space<vmem>>
      %dma_start3A_201 = arith.constant 0 : i32
      %dma_start3A_202 = arith.constant 0 : i32
      %dma_start3A_203 = tpu.memref_slice %arg15[%dma_start3A_201, %dma_start3A_202] : memref<10000x128xbf16, #tpu.memory_space<vmem_shared>> -> memref<10000x128xbf16, #tpu.memory_space<vmem_shared>>
      %dma_start3A_204 = tpu.memref_slice %arg17[%and3A_163] : memref<2x!tpu.dma_semaphore, #tpu.memory_space<semaphore_mem>> -> memref<1x!tpu.dma_semaphore, #tpu.memory_space<semaphore_mem>>
      %dma_start3A_205 = tpu.memref_squeeze %dma_start3A_204 : memref<1x!tpu.dma_semaphore, #tpu.memory_space<semaphore_mem>> -> memref<!tpu.dma_semaphore, #tpu.memory_space<semaphore_mem>>
      tpu.enqueue_indirect_dma source(%dma_start3A_197 : memref<128x128xbf16, #tpu.memory_space<vmem>>) target(%dma_start3A_203 : memref<10000x128xbf16, #tpu.memory_space<vmem_shared>>) offsets(%dma_start3A_200 : memref<128xi32, #tpu.memory_space<vmem>>) semaphore(%dma_start3A_205 : memref<!tpu.dma_semaphore, #tpu.memory_space<semaphore_mem>>) {add = true}
    }
    %sub3A_50 = arith.constant 2 : i32
    %sub3A_51 = arith.subi %min3A, %sub3A_50 : i32
    %and3A = arith.constant 1 : i32
    %and3A_52 = arith.andi %sub3A_51, %and3A : i32
    %jit3A_53 = arith.constant 8 : i32
    %div3A = arith.divsi %sub3A_51, %jit3A_53 : i32
    %sign3A = arith.constant 0 : i32
    %sign3A_54 = arith.cmpi sgt, %sub3A_51, %sign3A : i32
    %sign3A_55 = arith.extui %sign3A_54 : i1 to i32
    %sign3A_56 = arith.constant 0 : i32
    %sign3A_57 = arith.cmpi slt, %sub3A_51, %sign3A_56 : i32
    %sign3A_58 = arith.extui %sign3A_57 : i1 to i32
    %sign3A_59 = arith.subi %sign3A_55, %sign3A_58 : i32
    %sign3A_60 = arith.constant 0 : i32
    %sign3A_61 = arith.cmpi sgt, %jit3A_53, %sign3A_60 : i32
    %sign3A_62 = arith.extui %sign3A_61 : i1 to i32
    %sign3A_63 = arith.constant 0 : i32
    %sign3A_64 = arith.cmpi slt, %jit3A_53, %sign3A_63 : i32
    %sign3A_65 = arith.extui %sign3A_64 : i1 to i32
    %sign3A_66 = arith.subi %sign3A_62, %sign3A_65 : i32
    %ne3A = arith.cmpi ne, %sign3A_59, %sign3A_66 : i32
    %rem3A = arith.remsi %sub3A_51, %jit3A_53 : i32
    %ne3A_67 = arith.constant 0 : i32
    %ne3A_68 = arith.cmpi ne, %rem3A, %ne3A_67 : i32
    %and3A_69 = arith.andi %ne3A, %ne3A_68 : i1
    %sub3A_70 = arith.constant 1 : i32
    %sub3A_71 = arith.subi %div3A, %sub3A_70 : i32
    %select_n3A = arith.select %and3A_69, %sub3A_71, %div3A : i32
    %and3A_72 = arith.constant 1 : i32
    %and3A_73 = arith.andi %select_n3A, %and3A_72 : i32
    %and3A_74 = arith.constant 7 : i32
    %and3A_75 = arith.andi %sub3A_51, %and3A_74 : i32
    %and3A_76 = arith.constant 1 : i32
    %and3A_77 = arith.andi %sub3A_51, %and3A_76 : i32
    %dma_wait3A = arith.constant 0 : i32
    %dma_wait3A_78 = arith.constant 0 : i32
    %dma_wait3A_79 = tpu.memref_slice %arg14[%and3A_52, %dma_wait3A, %dma_wait3A_78] : memref<2x128x128xbf16, #tpu.memory_space<vmem>> -> memref<1x128x128xbf16, #tpu.memory_space<vmem>>
    %dma_wait3A_80 = tpu.memref_squeeze %dma_wait3A_79 : memref<1x128x128xbf16, #tpu.memory_space<vmem>> -> memref<128x128xbf16, #tpu.memory_space<vmem>>
    %dma_wait3A_81 = arith.constant 0 : i32
    %dma_wait3A_82 = tpu.memref_slice %arg11[%and3A_73, %and3A_75, %dma_wait3A_81] : memref<2x8x128xi32, #tpu.memory_space<vmem>> -> memref<1x1x128xi32, #tpu.memory_space<vmem>>
    %dma_wait3A_83 = tpu.memref_squeeze %dma_wait3A_82 : memref<1x1x128xi32, #tpu.memory_space<vmem>> -> memref<128xi32, #tpu.memory_space<vmem>>
    %dma_wait3A_84 = arith.constant 0 : i32
    %dma_wait3A_85 = arith.constant 0 : i32
    %dma_wait3A_86 = tpu.memref_slice %arg15[%dma_wait3A_84, %dma_wait3A_85] : memref<10000x128xbf16, #tpu.memory_space<vmem_shared>> -> memref<10000x128xbf16, #tpu.memory_space<vmem_shared>>
    %dma_wait3A_87 = tpu.memref_slice %arg17[%and3A_77] : memref<2x!tpu.dma_semaphore, #tpu.memory_space<semaphore_mem>> -> memref<1x!tpu.dma_semaphore, #tpu.memory_space<semaphore_mem>>
    %dma_wait3A_88 = tpu.memref_squeeze %dma_wait3A_87 : memref<1x!tpu.dma_semaphore, #tpu.memory_space<semaphore_mem>> -> memref<!tpu.dma_semaphore, #tpu.memory_space<semaphore_mem>>
    tpu.wait_indirect_dma semaphore(%dma_wait3A_88 : memref<!tpu.dma_semaphore, #tpu.memory_space<semaphore_mem>>) src(%dma_wait3A_80 : memref<128x128xbf16, #tpu.memory_space<vmem>>) dst(%dma_wait3A_86 : memref<10000x128xbf16, #tpu.memory_space<vmem_shared>>)
    %sub3A_89 = arith.constant 1 : i32
    %sub3A_90 = arith.subi %min3A, %sub3A_89 : i32
    %and3A_91 = arith.constant 1 : i32
    %and3A_92 = arith.andi %sub3A_90, %and3A_91 : i32
    %jit3A_93 = arith.constant 8 : i32
    %div3A_94 = arith.divsi %sub3A_90, %jit3A_93 : i32
    %sign3A_95 = arith.constant 0 : i32
    %sign3A_96 = arith.cmpi sgt, %sub3A_90, %sign3A_95 : i32
    %sign3A_97 = arith.extui %sign3A_96 : i1 to i32
    %sign3A_98 = arith.constant 0 : i32
    %sign3A_99 = arith.cmpi slt, %sub3A_90, %sign3A_98 : i32
    %sign3A_100 = arith.extui %sign3A_99 : i1 to i32
    %sign3A_101 = arith.subi %sign3A_97, %sign3A_100 : i32
    %sign3A_102 = arith.constant 0 : i32
    %sign3A_103 = arith.cmpi sgt, %jit3A_93, %sign3A_102 : i32
    %sign3A_104 = arith.extui %sign3A_103 : i1 to i32
    %sign3A_105 = arith.constant 0 : i32
    %sign3A_106 = arith.cmpi slt, %jit3A_93, %sign3A_105 : i32
    %sign3A_107 = arith.extui %sign3A_106 : i1 to i32
    %sign3A_108 = arith.subi %sign3A_104, %sign3A_107 : i32
    %ne3A_109 = arith.cmpi ne, %sign3A_101, %sign3A_108 : i32
    %rem3A_110 = arith.remsi %sub3A_90, %jit3A_93 : i32
    %ne3A_111 = arith.constant 0 : i32
    %ne3A_112 = arith.cmpi ne, %rem3A_110, %ne3A_111 : i32
    %and3A_113 = arith.andi %ne3A_109, %ne3A_112 : i1
    %sub3A_114 = arith.constant 1 : i32
    %sub3A_115 = arith.subi %div3A_94, %sub3A_114 : i32
    %select_n3A_116 = arith.select %and3A_113, %sub3A_115, %div3A_94 : i32
    %and3A_117 = arith.constant 1 : i32
    %and3A_118 = arith.andi %select_n3A_116, %and3A_117 : i32
    %and3A_119 = arith.constant 7 : i32
    %and3A_120 = arith.andi %sub3A_90, %and3A_119 : i32
    %and3A_121 = arith.constant 1 : i32
    %and3A_122 = arith.andi %sub3A_90, %and3A_121 : i32
    %dma_wait3A_123 = arith.constant 0 : i32
    %dma_wait3A_124 = arith.constant 0 : i32
    %dma_wait3A_125 = tpu.memref_slice %arg14[%and3A_92, %dma_wait3A_123, %dma_wait3A_124] : memref<2x128x128xbf16, #tpu.memory_space<vmem>> -> memref<1x128x128xbf16, #tpu.memory_space<vmem>>
    %dma_wait3A_126 = tpu.memref_squeeze %dma_wait3A_125 : memref<1x128x128xbf16, #tpu.memory_space<vmem>> -> memref<128x128xbf16, #tpu.memory_space<vmem>>
    %dma_wait3A_127 = arith.constant 0 : i32
    %dma_wait3A_128 = tpu.memref_slice %arg11[%and3A_118, %and3A_120, %dma_wait3A_127] : memref<2x8x128xi32, #tpu.memory_space<vmem>> -> memref<1x1x128xi32, #tpu.memory_space<vmem>>
    %dma_wait3A_129 = tpu.memref_squeeze %dma_wait3A_128 : memref<1x1x128xi32, #tpu.memory_space<vmem>> -> memref<128xi32, #tpu.memory_space<vmem>>
    %dma_wait3A_130 = arith.constant 0 : i32
    %dma_wait3A_131 = arith.constant 0 : i32
    %dma_wait3A_132 = tpu.memref_slice %arg15[%dma_wait3A_130, %dma_wait3A_131] : memref<10000x128xbf16, #tpu.memory_space<vmem_shared>> -> memref<10000x128xbf16, #tpu.memory_space<vmem_shared>>
    %dma_wait3A_133 = tpu.memref_slice %arg17[%and3A_122] : memref<2x!tpu.dma_semaphore, #tpu.memory_space<semaphore_mem>> -> memref<1x!tpu.dma_semaphore, #tpu.memory_space<semaphore_mem>>
    %dma_wait3A_134 = tpu.memref_squeeze %dma_wait3A_133 : memref<1x!tpu.dma_semaphore, #tpu.memory_space<semaphore_mem>> -> memref<!tpu.dma_semaphore, #tpu.memory_space<semaphore_mem>>
    tpu.wait_indirect_dma semaphore(%dma_wait3A_134 : memref<!tpu.dma_semaphore, #tpu.memory_space<semaphore_mem>>) src(%dma_wait3A_126 : memref<128x128xbf16, #tpu.memory_space<vmem>>) dst(%dma_wait3A_132 : memref<10000x128xbf16, #tpu.memory_space<vmem_shared>>)
    %barrier3A_135 = arith.constant 0 : index
    tpu.barrier barrier_id(%barrier3A_135)
    %mul3A_136 = arith.constant 624 : i32
    %mul3A_137 = arith.muli %arg1, %mul3A_136 : i32
    "tpu.region"() ({
      %run_scoped3A_143 = tpu.sem_alloc : memref<!tpu.dma_semaphore, #tpu.memory_space<semaphore_mem>>
      %dma_start3A_144 = arith.constant 0 : i32
      %dma_start3A_145 = tpu.memref_slice %arg8[%arg0, %mul3A_137, %dma_start3A_144] : memref<2x10000x128xbf16, #tpu.memory_space<hbm>> -> memref<1x624x128xbf16, #tpu.memory_space<hbm>>
      %dma_start3A_146 = tpu.memref_squeeze %dma_start3A_145 : memref<1x624x128xbf16, #tpu.memory_space<hbm>> -> memref<624x128xbf16, #tpu.memory_space<hbm>>
      %dma_start3A_147 = arith.constant 0 : i32
      %dma_start3A_148 = tpu.memref_slice %arg15[%mul3A_137, %dma_start3A_147] : memref<10000x128xbf16, #tpu.memory_space<vmem_shared>> -> memref<624x128xbf16, #tpu.memory_space<vmem_shared>>
      tpu.enqueue_dma source(%dma_start3A_148 : memref<624x128xbf16, #tpu.memory_space<vmem_shared>>) target(%dma_start3A_146 : memref<624x128xbf16, #tpu.memory_space<hbm>>) target_semaphore(%run_scoped3A_143 : memref<!tpu.dma_semaphore, #tpu.memory_space<semaphore_mem>>)
      %dma_wait3A_149 = arith.constant 0 : i32
      %dma_wait3A_150 = tpu.memref_slice %arg8[%arg0, %mul3A_137, %dma_wait3A_149] : memref<2x10000x128xbf16, #tpu.memory_space<hbm>> -> memref<1x624x128xbf16, #tpu.memory_space<hbm>>
      %dma_wait3A_151 = tpu.memref_squeeze %dma_wait3A_150 : memref<1x624x128xbf16, #tpu.memory_space<hbm>> -> memref<624x128xbf16, #tpu.memory_space<hbm>>
      %dma_wait3A_152 = arith.constant 0 : i32
      %dma_wait3A_153 = tpu.memref_slice %arg15[%mul3A_137, %dma_wait3A_152] : memref<10000x128xbf16, #tpu.memory_space<vmem_shared>> -> memref<624x128xbf16, #tpu.memory_space<vmem_shared>>
      tpu.wait_dma2 semaphore(%run_scoped3A_143 : memref<!tpu.dma_semaphore, #tpu.memory_space<semaphore_mem>>) src(%dma_wait3A_153 : memref<624x128xbf16, #tpu.memory_space<vmem_shared>>) dst(%dma_wait3A_151 : memref<624x128xbf16, #tpu.memory_space<hbm>>)
      tpu.yield
    }) : () -> ()
    %eq3A_138 = arith.constant 15 : i32
    %eq3A_139 = arith.cmpi eq, %arg1, %eq3A_138 : i32
    %convert_element_type3A_140 = arith.extui %eq3A_139 : i1 to i32
    %cond3A_141 = arith.constant 0 : i32
    %cond3A_142 = arith.cmpi ne, %convert_element_type3A_140, %cond3A_141 : i32
    scf.if %cond3A_142 {
      "tpu.region"() ({
        %run_scoped3A_143 = tpu.sem_alloc : memref<!tpu.dma_semaphore, #tpu.memory_space<semaphore_mem>>
        %dma_start3A_144 = arith.constant 9984 : i32
        %dma_start3A_145 = arith.constant 0 : i32
        %dma_start3A_146 = tpu.memref_slice %arg8[%arg0, %dma_start3A_144, %dma_start3A_145] : memref<2x10000x128xbf16, #tpu.memory_space<hbm>> -> memref<1x16x128xbf16, #tpu.memory_space<hbm>>
        %dma_start3A_147 = tpu.memref_squeeze %dma_start3A_146 : memref<1x16x128xbf16, #tpu.memory_space<hbm>> -> memref<16x128xbf16, #tpu.memory_space<hbm>>
        %dma_start3A_148 = arith.constant 9984 : i32
        %dma_start3A_149 = arith.constant 0 : i32
        %dma_start3A_150 = tpu.memref_slice %arg15[%dma_start3A_148, %dma_start3A_149] : memref<10000x128xbf16, #tpu.memory_space<vmem_shared>> -> memref<16x128xbf16, #tpu.memory_space<vmem_shared>>
        tpu.enqueue_dma source(%dma_start3A_150 : memref<16x128xbf16, #tpu.memory_space<vmem_shared>>) target(%dma_start3A_147 : memref<16x128xbf16, #tpu.memory_space<hbm>>) target_semaphore(%run_scoped3A_143 : memref<!tpu.dma_semaphore, #tpu.memory_space<semaphore_mem>>)
        %dma_wait3A_151 = arith.constant 9984 : i32
        %dma_wait3A_152 = arith.constant 0 : i32
        %dma_wait3A_153 = tpu.memref_slice %arg8[%arg0, %dma_wait3A_151, %dma_wait3A_152] : memref<2x10000x128xbf16, #tpu.memory_space<hbm>> -> memref<1x16x128xbf16, #tpu.memory_space<hbm>>
        %dma_wait3A_154 = tpu.memref_squeeze %dma_wait3A_153 : memref<1x16x128xbf16, #tpu.memory_space<hbm>> -> memref<16x128xbf16, #tpu.memory_space<hbm>>
        %dma_wait3A_155 = arith.constant 9984 : i32
        %dma_wait3A_156 = arith.constant 0 : i32
        %dma_wait3A_157 = tpu.memref_slice %arg15[%dma_wait3A_155, %dma_wait3A_156] : memref<10000x128xbf16, #tpu.memory_space<vmem_shared>> -> memref<16x128xbf16, #tpu.memory_space<vmem_shared>>
        tpu.wait_dma2 semaphore(%run_scoped3A_143 : memref<!tpu.dma_semaphore, #tpu.memory_space<semaphore_mem>>) src(%dma_wait3A_157 : memref<16x128xbf16, #tpu.memory_space<vmem_shared>>) dst(%dma_wait3A_154 : memref<16x128xbf16, #tpu.memory_space<hbm>>)
        tpu.yield
      }) : () -> ()
    } else {
    }
    return
  }
}

module attributes {stable_mosaic.version = 14 : i64} {
  func.func @_mlps_body(%arg0: i32, %arg1: memref<1000x128xf32, #tpu.memory_space<vmem>>, %arg2: memref<128x128xf32, #tpu.memory_space<vmem>>, %arg3: memref<1x128xf32, #tpu.memory_space<vmem>>, %arg4: memref<128x128xf32, #tpu.memory_space<vmem>>, %arg5: memref<1x128xf32, #tpu.memory_space<vmem>>, %arg6: memref<128x128xf32, #tpu.memory_space<vmem>>, %arg7: memref<1x128xf32, #tpu.memory_space<vmem>>, %arg8: memref<128x128xf32, #tpu.memory_space<vmem>>, %arg9: memref<1x128xf32, #tpu.memory_space<vmem>>, %arg10: memref<1000x128xbf16, #tpu.memory_space<vmem>>, %arg11: memref<1000x128xbf16, #tpu.memory_space<vmem>>) attributes {dimension_semantics = [#tpu.dimension_semantics<arbitrary>], iteration_bounds = array<i64: 10>, scalar_prefetch = 0 : i64, scratch_operands = 0 : i64, tpu.core_type = #tpu.core_type<tc>, window_params = [{transform_indices = @transform_0, window_bounds = array<i64: 1000, 128>}, {pipeline_mode = #tpu.pipeline_mode<synchronous>, transform_indices = @transform_1, window_bounds = array<i64: 128, 128>}, {pipeline_mode = #tpu.pipeline_mode<synchronous>, transform_indices = @transform_2, window_bounds = array<i64: 1, 128>}, {pipeline_mode = #tpu.pipeline_mode<synchronous>, transform_indices = @transform_3, window_bounds = array<i64: 128, 128>}, {pipeline_mode = #tpu.pipeline_mode<synchronous>, transform_indices = @transform_4, window_bounds = array<i64: 1, 128>}, {pipeline_mode = #tpu.pipeline_mode<synchronous>, transform_indices = @transform_5, window_bounds = array<i64: 128, 128>}, {pipeline_mode = #tpu.pipeline_mode<synchronous>, transform_indices = @transform_6, window_bounds = array<i64: 1, 128>}, {pipeline_mode = #tpu.pipeline_mode<synchronous>, transform_indices = @transform_7, window_bounds = array<i64: 128, 128>}, {pipeline_mode = #tpu.pipeline_mode<synchronous>, transform_indices = @transform_8, window_bounds = array<i64: 1, 128>}, {transform_indices = @transform_9, window_bounds = array<i64: 1000, 128>}, {transform_indices = @transform_10, window_bounds = array<i64: 1000, 128>}]} {
    %get3A = arith.constant 0 : index
    %get3A_0 = arith.constant 0 : index
    %get3A_1 = vector.load %arg1[%get3A, %get3A_0] : memref<1000x128xf32, #tpu.memory_space<vmem>>, vector<1000x128xf32>
    %get3A_2 = arith.constant 0 : index
    %get3A_3 = arith.constant 0 : index
    %get3A_4 = vector.load %arg2[%get3A_2, %get3A_3] : memref<128x128xf32, #tpu.memory_space<vmem>>, vector<128x128xf32>
    %dot_general3A = arith.constant dense<0.000000e+00> : vector<1000x128xf32>
    %dot_general3A_5 = tpu.matmul %get3A_1, %get3A_4, %dot_general3A {dimension_numbers = #tpu.dot_dimension_numbers<[1], [0], [0], [1], [0, 0, 1, 1], [], []>, transpose_lhs_hint = false} : vector<1000x128xf32>, vector<128x128xf32>, vector<1000x128xf32> -> vector<1000x128xf32>
    %get3A_6 = arith.constant 0 : index
    %get3A_7 = arith.constant 0 : index
    %get3A_8 = vector.load %arg3[%get3A_6, %get3A_7] : memref<1x128xf32, #tpu.memory_space<vmem>>, vector<1x128xf32>
    %add3A = vector.broadcast %get3A_8 : vector<1x128xf32> to vector<1000x128xf32>
    %add3A_9 = arith.addf %dot_general3A_5, %add3A : vector<1000x128xf32>
    %max3A = arith.constant 0.000000e+00 : f32
    %max3A_10 = vector.broadcast %max3A : f32 to vector<1000x128xf32>
    %max3A_11 = arith.maximumf %add3A_9, %max3A_10 : vector<1000x128xf32>
    %get3A_12 = arith.constant 0 : index
    %get3A_13 = arith.constant 0 : index
    %get3A_14 = vector.load %arg4[%get3A_12, %get3A_13] : memref<128x128xf32, #tpu.memory_space<vmem>>, vector<128x128xf32>
    %dot_general3A_15 = arith.constant dense<0.000000e+00> : vector<1000x128xf32>
    %dot_general3A_16 = tpu.matmul %max3A_11, %get3A_14, %dot_general3A_15 {dimension_numbers = #tpu.dot_dimension_numbers<[1], [0], [0], [1], [0, 0, 1, 1], [], []>, transpose_lhs_hint = false} : vector<1000x128xf32>, vector<128x128xf32>, vector<1000x128xf32> -> vector<1000x128xf32>
    %get3A_17 = arith.constant 0 : index
    %get3A_18 = arith.constant 0 : index
    %get3A_19 = vector.load %arg5[%get3A_17, %get3A_18] : memref<1x128xf32, #tpu.memory_space<vmem>>, vector<1x128xf32>
    %add3A_20 = vector.broadcast %get3A_19 : vector<1x128xf32> to vector<1000x128xf32>
    %add3A_21 = arith.addf %dot_general3A_16, %add3A_20 : vector<1000x128xf32>
    %convert_element_type3A = arith.truncf %add3A_21 : vector<1000x128xf32> to vector<1000x128xbf16>
    %swap3A = arith.constant 0 : index
    %swap3A_22 = arith.constant 0 : index
    %swap3A_23 = vector.load %arg10[%swap3A, %swap3A_22] : memref<1000x128xbf16, #tpu.memory_space<vmem>>, vector<1000x128xbf16>
    tpu.vector_store %arg10[%swap3A, %swap3A_22], %convert_element_type3A {strides = array<i32>} : memref<1000x128xbf16, #tpu.memory_space<vmem>>, vector<1000x128xbf16>,
    %get3A_24 = arith.constant 0 : index
    %get3A_25 = arith.constant 0 : index
    %get3A_26 = vector.load %arg6[%get3A_24, %get3A_25] : memref<128x128xf32, #tpu.memory_space<vmem>>, vector<128x128xf32>
    %dot_general3A_27 = arith.constant dense<0.000000e+00> : vector<1000x128xf32>
    %dot_general3A_28 = tpu.matmul %get3A_1, %get3A_26, %dot_general3A_27 {dimension_numbers = #tpu.dot_dimension_numbers<[1], [0], [0], [1], [0, 0, 1, 1], [], []>, transpose_lhs_hint = false} : vector<1000x128xf32>, vector<128x128xf32>, vector<1000x128xf32> -> vector<1000x128xf32>
    %get3A_29 = arith.constant 0 : index
    %get3A_30 = arith.constant 0 : index
    %get3A_31 = vector.load %arg7[%get3A_29, %get3A_30] : memref<1x128xf32, #tpu.memory_space<vmem>>, vector<1x128xf32>
    %add3A_32 = vector.broadcast %get3A_31 : vector<1x128xf32> to vector<1000x128xf32>
    %add3A_33 = arith.addf %dot_general3A_28, %add3A_32 : vector<1000x128xf32>
    %max3A_34 = arith.constant 0.000000e+00 : f32
    %max3A_35 = vector.broadcast %max3A_34 : f32 to vector<1000x128xf32>
    %max3A_36 = arith.maximumf %add3A_33, %max3A_35 : vector<1000x128xf32>
    %get3A_37 = arith.constant 0 : index
    %get3A_38 = arith.constant 0 : index
    %get3A_39 = vector.load %arg8[%get3A_37, %get3A_38] : memref<128x128xf32, #tpu.memory_space<vmem>>, vector<128x128xf32>
    %dot_general3A_40 = arith.constant dense<0.000000e+00> : vector<1000x128xf32>
    %dot_general3A_41 = tpu.matmul %max3A_36, %get3A_39, %dot_general3A_40 {dimension_numbers = #tpu.dot_dimension_numbers<[1], [0], [0], [1], [0, 0, 1, 1], [], []>, transpose_lhs_hint = false} : vector<1000x128xf32>, vector<128x128xf32>, vector<1000x128xf32> -> vector<1000x128xf32>
    %get3A_42 = arith.constant 0 : index
    %get3A_43 = arith.constant 0 : index
    %get3A_44 = vector.load %arg9[%get3A_42, %get3A_43] : memref<1x128xf32, #tpu.memory_space<vmem>>, vector<1x128xf32>
    %add3A_45 = vector.broadcast %get3A_44 : vector<1x128xf32> to vector<1000x128xf32>
    %add3A_46 = arith.addf %dot_general3A_41, %add3A_45 : vector<1000x128xf32>
    %convert_element_type3A_47 = arith.truncf %add3A_46 : vector<1000x128xf32> to vector<1000x128xbf16>
    %swap3A_48 = arith.constant 0 : index
    %swap3A_49 = arith.constant 0 : index
    %swap3A_50 = vector.load %arg11[%swap3A_48, %swap3A_49] : memref<1000x128xbf16, #tpu.memory_space<vmem>>, vector<1000x128xbf16>
    tpu.vector_store %arg11[%swap3A_48, %swap3A_49], %convert_element_type3A_47 {strides = array<i32>} : memref<1000x128xbf16, #tpu.memory_space<vmem>>, vector<1000x128xbf16>,
    return
  }
  func.func @transform_0(%arg0: i32) -> (i32, i32) {
    %c0_i32 = arith.constant 0 : i32
    %c0_i32_0 = arith.constant 0 : i32
    return %arg0, %c0_i32 : i32, i32
  }
  func.func @transform_1(%arg0: i32) -> (i32, i32) {
    %c0_i32 = arith.constant 0 : i32
    %c0_i32_0 = arith.constant 0 : i32
    %c0_i32_1 = arith.constant 0 : i32
    return %c0_i32, %c0_i32_0 : i32, i32
  }
  func.func @transform_2(%arg0: i32) -> (i32, i32) {
    %c0_i32 = arith.constant 0 : i32
    %c0_i32_0 = arith.constant 0 : i32
    %c0_i32_1 = arith.constant 0 : i32
    return %c0_i32, %c0_i32_0 : i32, i32
  }
  func.func @transform_3(%arg0: i32) -> (i32, i32) {
    %c0_i32 = arith.constant 0 : i32
    %c0_i32_0 = arith.constant 0 : i32
    %c0_i32_1 = arith.constant 0 : i32
    return %c0_i32, %c0_i32_0 : i32, i32
  }
  func.func @transform_4(%arg0: i32) -> (i32, i32) {
    %c0_i32 = arith.constant 0 : i32
    %c0_i32_0 = arith.constant 0 : i32
    %c0_i32_1 = arith.constant 0 : i32
    return %c0_i32, %c0_i32_0 : i32, i32
  }
  func.func @transform_5(%arg0: i32) -> (i32, i32) {
    %c0_i32 = arith.constant 0 : i32
    %c0_i32_0 = arith.constant 0 : i32
    %c0_i32_1 = arith.constant 0 : i32
    return %c0_i32, %c0_i32_0 : i32, i32
  }
  func.func @transform_6(%arg0: i32) -> (i32, i32) {
    %c0_i32 = arith.constant 0 : i32
    %c0_i32_0 = arith.constant 0 : i32
    %c0_i32_1 = arith.constant 0 : i32
    return %c0_i32, %c0_i32_0 : i32, i32
  }
  func.func @transform_7(%arg0: i32) -> (i32, i32) {
    %c0_i32 = arith.constant 0 : i32
    %c0_i32_0 = arith.constant 0 : i32
    %c0_i32_1 = arith.constant 0 : i32
    return %c0_i32, %c0_i32_0 : i32, i32
  }
  func.func @transform_8(%arg0: i32) -> (i32, i32) {
    %c0_i32 = arith.constant 0 : i32
    %c0_i32_0 = arith.constant 0 : i32
    %c0_i32_1 = arith.constant 0 : i32
    return %c0_i32, %c0_i32_0 : i32, i32
  }
  func.func @transform_9(%arg0: i32) -> (i32, i32) {
    %c0_i32 = arith.constant 0 : i32
    %c0_i32_0 = arith.constant 0 : i32
    return %arg0, %c0_i32 : i32, i32
  }
  func.func @transform_10(%arg0: i32) -> (i32, i32) {
    %c0_i32 = arith.constant 0 : i32
    %c0_i32_0 = arith.constant 0 : i32
    return %arg0, %c0_i32 : i32, i32
  }
}

module attributes {stable_mosaic.version = 14 : i64} {
  func.func @_final_body(%arg0: i32, %arg1: memref<1000x128xf32, #tpu.memory_space<vmem>>, %arg2: memref<2x1000x128xbf16, #tpu.memory_space<vmem>>, %arg3: memref<1000x1xf32, #tpu.memory_space<vmem>>, %arg4: memref<128x128xf32, #tpu.memory_space<vmem>>, %arg5: memref<128x128xf32, #tpu.memory_space<vmem>>, %arg6: memref<1x128xf32, #tpu.memory_space<vmem>>, %arg7: memref<128x128xf32, #tpu.memory_space<vmem>>, %arg8: memref<1x128xf32, #tpu.memory_space<vmem>>, %arg9: memref<1000x128xf32, #tpu.memory_space<vmem>>) attributes {dimension_semantics = [#tpu.dimension_semantics<arbitrary>], iteration_bounds = array<i64: 10>, scalar_prefetch = 0 : i64, scratch_operands = 0 : i64, tpu.core_type = #tpu.core_type<tc>, window_params = [{transform_indices = @transform_0, window_bounds = array<i64: 1000, 128>}, {transform_indices = @transform_1, window_bounds = array<i64: 2, 1000, 128>}, {transform_indices = @transform_2, window_bounds = array<i64: 1000, 1>}, {pipeline_mode = #tpu.pipeline_mode<synchronous>, transform_indices = @transform_3, window_bounds = array<i64: 128, 128>}, {pipeline_mode = #tpu.pipeline_mode<synchronous>, transform_indices = @transform_4, window_bounds = array<i64: 128, 128>}, {pipeline_mode = #tpu.pipeline_mode<synchronous>, transform_indices = @transform_5, window_bounds = array<i64: 1, 128>}, {pipeline_mode = #tpu.pipeline_mode<synchronous>, transform_indices = @transform_6, window_bounds = array<i64: 128, 128>}, {pipeline_mode = #tpu.pipeline_mode<synchronous>, transform_indices = @transform_7, window_bounds = array<i64: 1, 128>}, {transform_indices = @transform_8, window_bounds = array<i64: 1000, 128>}]} {
    %get3A = arith.constant 0 : index
    %get3A_0 = arith.constant 0 : index
    %get3A_1 = arith.constant 0 : index
    %get3A_2 = vector.load %arg2[%get3A, %get3A_0, %get3A_1] : memref<2x1000x128xbf16, #tpu.memory_space<vmem>>, vector<1x1000x128xbf16>
    %get3A_3 = vector.shape_cast %get3A_2 : vector<1x1000x128xbf16> to vector<1000x128xbf16>
    %convert_element_type3A = arith.extf %get3A_3 : vector<1000x128xbf16> to vector<1000x128xf32>
    %get3A_4 = arith.constant 1 : index
    %get3A_5 = arith.constant 0 : index
    %get3A_6 = arith.constant 0 : index
    %get3A_7 = vector.load %arg2[%get3A_4, %get3A_5, %get3A_6] : memref<2x1000x128xbf16, #tpu.memory_space<vmem>>, vector<1x1000x128xbf16>
    %get3A_8 = vector.shape_cast %get3A_7 : vector<1x1000x128xbf16> to vector<1000x128xbf16>
    %convert_element_type3A_9 = arith.extf %get3A_8 : vector<1000x128xbf16> to vector<1000x128xf32>
    %add3A = arith.addf %convert_element_type3A, %convert_element_type3A_9 : vector<1000x128xf32>
    %get3A_10 = arith.constant 0 : index
    %get3A_11 = arith.constant 0 : index
    %get3A_12 = vector.load %arg3[%get3A_10, %get3A_11] : memref<1000x1xf32, #tpu.memory_space<vmem>>, vector<1000x1xf32>
    %mul3A = vector.broadcast %get3A_12 : vector<1000x1xf32> to vector<1000x128xf32>
    %mul3A_13 = arith.mulf %add3A, %mul3A : vector<1000x128xf32>
    %get3A_14 = arith.constant 0 : index
    %get3A_15 = arith.constant 0 : index
    %get3A_16 = vector.load %arg1[%get3A_14, %get3A_15] : memref<1000x128xf32, #tpu.memory_space<vmem>>, vector<1000x128xf32>
    %get3A_17 = arith.constant 0 : index
    %get3A_18 = arith.constant 0 : index
    %get3A_19 = vector.load %arg4[%get3A_17, %get3A_18] : memref<128x128xf32, #tpu.memory_space<vmem>>, vector<128x128xf32>
    %dot_general3A = arith.constant dense<0.000000e+00> : vector<1000x128xf32>
    %dot_general3A_20 = tpu.matmul %get3A_16, %get3A_19, %dot_general3A {dimension_numbers = #tpu.dot_dimension_numbers<[1], [0], [0], [1], [0, 0, 1, 1], [], []>, transpose_lhs_hint = false} : vector<1000x128xf32>, vector<128x128xf32>, vector<1000x128xf32> -> vector<1000x128xf32>
    %get3A_21 = arith.constant 0 : index
    %get3A_22 = arith.constant 0 : index
    %get3A_23 = vector.load %arg5[%get3A_21, %get3A_22] : memref<128x128xf32, #tpu.memory_space<vmem>>, vector<128x128xf32>
    %dot_general3A_24 = arith.constant dense<0.000000e+00> : vector<1000x128xf32>
    %dot_general3A_25 = tpu.matmul %mul3A_13, %get3A_23, %dot_general3A_24 {dimension_numbers = #tpu.dot_dimension_numbers<[1], [0], [0], [1], [0, 0, 1, 1], [], []>, transpose_lhs_hint = false} : vector<1000x128xf32>, vector<128x128xf32>, vector<1000x128xf32> -> vector<1000x128xf32>
    %add3A_26 = arith.addf %dot_general3A_20, %dot_general3A_25 : vector<1000x128xf32>
    %get3A_27 = arith.constant 0 : index
    %get3A_28 = arith.constant 0 : index
    %get3A_29 = vector.load %arg6[%get3A_27, %get3A_28] : memref<1x128xf32, #tpu.memory_space<vmem>>, vector<1x128xf32>
    %add3A_30 = vector.broadcast %get3A_29 : vector<1x128xf32> to vector<1000x128xf32>
    %add3A_31 = arith.addf %add3A_26, %add3A_30 : vector<1000x128xf32>
    %max3A = arith.constant 0.000000e+00 : f32
    %max3A_32 = vector.broadcast %max3A : f32 to vector<1000x128xf32>
    %max3A_33 = arith.maximumf %add3A_31, %max3A_32 : vector<1000x128xf32>
    %get3A_34 = arith.constant 0 : index
    %get3A_35 = arith.constant 0 : index
    %get3A_36 = vector.load %arg7[%get3A_34, %get3A_35] : memref<128x128xf32, #tpu.memory_space<vmem>>, vector<128x128xf32>
    %dot_general3A_37 = arith.constant dense<0.000000e+00> : vector<1000x128xf32>
    %dot_general3A_38 = tpu.matmul %max3A_33, %get3A_36, %dot_general3A_37 {dimension_numbers = #tpu.dot_dimension_numbers<[1], [0], [0], [1], [0, 0, 1, 1], [], []>, transpose_lhs_hint = false} : vector<1000x128xf32>, vector<128x128xf32>, vector<1000x128xf32> -> vector<1000x128xf32>
    %get3A_39 = arith.constant 0 : index
    %get3A_40 = arith.constant 0 : index
    %get3A_41 = vector.load %arg8[%get3A_39, %get3A_40] : memref<1x128xf32, #tpu.memory_space<vmem>>, vector<1x128xf32>
    %add3A_42 = vector.broadcast %get3A_41 : vector<1x128xf32> to vector<1000x128xf32>
    %add3A_43 = arith.addf %dot_general3A_38, %add3A_42 : vector<1000x128xf32>
    %swap3A = arith.constant 0 : index
    %swap3A_44 = arith.constant 0 : index
    %swap3A_45 = vector.load %arg9[%swap3A, %swap3A_44] : memref<1000x128xf32, #tpu.memory_space<vmem>>, vector<1000x128xf32>
    tpu.vector_store %arg9[%swap3A, %swap3A_44], %add3A_43 {strides = array<i32>} : memref<1000x128xf32, #tpu.memory_space<vmem>>, vector<1000x128xf32>,
    return
  }
  func.func @transform_0(%arg0: i32) -> (i32, i32) {
    %c0_i32 = arith.constant 0 : i32
    %c0_i32_0 = arith.constant 0 : i32
    return %arg0, %c0_i32 : i32, i32
  }
  func.func @transform_1(%arg0: i32) -> (i32, i32, i32) {
    %c0_i32 = arith.constant 0 : i32
    %c0_i32_0 = arith.constant 0 : i32
    %c0_i32_1 = arith.constant 0 : i32
    return %c0_i32, %arg0, %c0_i32_0 : i32, i32, i32
  }
  func.func @transform_2(%arg0: i32) -> (i32, i32) {
    %c0_i32 = arith.constant 0 : i32
    %c0_i32_0 = arith.constant 0 : i32
    return %arg0, %c0_i32 : i32, i32
  }
  func.func @transform_3(%arg0: i32) -> (i32, i32) {
    %c0_i32 = arith.constant 0 : i32
    %c0_i32_0 = arith.constant 0 : i32
    %c0_i32_1 = arith.constant 0 : i32
    return %c0_i32, %c0_i32_0 : i32, i32
  }
  func.func @transform_4(%arg0: i32) -> (i32, i32) {
    %c0_i32 = arith.constant 0 : i32
    %c0_i32_0 = arith.constant 0 : i32
    %c0_i32_1 = arith.constant 0 : i32
    return %c0_i32, %c0_i32_0 : i32, i32
  }
  func.func @transform_5(%arg0: i32) -> (i32, i32) {
    %c0_i32 = arith.constant 0 : i32
    %c0_i32_0 = arith.constant 0 : i32
    %c0_i32_1 = arith.constant 0 : i32
    return %c0_i32, %c0_i32_0 : i32, i32
  }
  func.func @transform_6(%arg0: i32) -> (i32, i32) {
    %c0_i32 = arith.constant 0 : i32
    %c0_i32_0 = arith.constant 0 : i32
    %c0_i32_1 = arith.constant 0 : i32
    return %c0_i32, %c0_i32_0 : i32, i32
  }
  func.func @transform_7(%arg0: i32) -> (i32, i32) {
    %c0_i32 = arith.constant 0 : i32
    %c0_i32_0 = arith.constant 0 : i32
    %c0_i32_1 = arith.constant 0 : i32
    return %c0_i32, %c0_i32_0 : i32, i32
  }
  func.func @transform_8(%arg0: i32) -> (i32, i32) {
    %c0_i32 = arith.constant 0 : i32
    %c0_i32_0 = arith.constant 0 : i32
    return %arg0, %c0_i32 : i32, i32
  }
}

</mosaic_0001>

<sc_bundles>
// kernel: kernel.5.cloned.1.call-start
scs
__scs_entry_jumppad:
0x0: {  	(pc) =	sbr.rel $0x88, $3  }
0x1: {  	(tag) =	ssettag $0x0;
	lr =	simm.s32 $0x1  }
0x2: {  	[smem:$0x3F92] =	sst lr;
	_ =	strace $0xD0000000  }
0x3: {  	_ = 	snop  }
0x4: {  	_ = 	snop  }
0x5: {  	_ = 	snop  }
0x6: {  	_ = 	snop  }
0x7: {  	_ = 	snop  }
__scs_overlays_trampoline_lowered:
0x8: {  	[smem:$0x3FA1] =	sst s0  }
0x9: {  	[smem:$0x3FA2] =	sst s1  }
0xa: {  	[smem:$0x3FA3] =	sst s2  }
0xb: {  	[smem:$0x3FA4] =	sst s3  }
0xc: {  	[smem:$0x3FA5] =	sst s4  }
0xd: {  	[smem:$0x3FA6] =	sst s5  }
0xe: {  	[smem:$0x3FA7] =	sst s6  }
0xf: {  	[smem:$0x3FA8] =	sst s7  }
0x10: {  	[smem:$0x3FA9] =	sst s8  }
0x11: {  	[smem:$0x3FAA] =	sst s9;
	s0 =	simm.s32 @!p0 $0x0  }
0x12: {  	s1 =	sld [smem:$0x3F90];
	s0 =	simm.s32 @p0 $0x1  }
0x13: {  	[smem:$0x3FAB] =	sst s0;
	s0 =	simm.s32 @!p1 $0x0  }
0x14: {  	s2 =	sld [smem:$0x3F8F];
	s0 =	simm.s32 @p1 $0x1  }
0x15: {  	[smem:$0x3FAC] =	sst s0;
	s0 =	simm.s32 @!p2 $0x0  }
0x16: {  	s3 =	sld [smem:$0x3FDB];
	s0 =	simm.s32 @p2 $0x1  }
0x17: {  	s4 =	simm.s32 $0x1BF5;
	[smem:$0x3FAE] =	sst s0  }
0x18: {  	s0 =	sld [smem:$0x3F91];
	_ =	swait.ge [sflag:s4], $0x0  }
0x19: {  	s7 =	sld [smem:$0x3F92]  }
0x1a: {  	s8 =	sadd.s32 $0xFFFFE003, lr  }
0x1b: {  	s9 =	sadd.s32 $0xFFFFFEF7, lr;
	s5 =	simm.s32 $0xFFFFFFFF;
	p2 =	slt.u32 s8, $0xFFFFF086  }
0x1c: {  	p1 =	slt.u32 s9, $0xF7A;
	s5 =	simm.s32 @!p2 $0x0  }
0x1d: {  	s5 =	simm.s32 @p1 $0x1;
	p0 =	seq.s32 s7, s2  }
0x1e: {  	s7 =	smul.u32 @!p0 $0xF7A, s2;
	p2 =	seq.s32 @!p0 s5, $0x0  }
0x1f: {  	s9 =	smul.u32 $0xF7A, s1;
	s8 =	simm.s32 @!p0 $0x1BF5;
	p2 =	por !p2, p0  }
0x20: {  	[sflag:s8] =	ssyncset.s32 @!p0 $0xFFFFF086;
	s6 =	sadd.s32 @!p0 s3, s7;
	s7 =	simm.s32 @!p0 $0x108  }
0x21: {  	s3 =	sadd.s32 s3, s9;
	s6 =	sadd.s32 @!p0 $0x88, s6;
	s7 =	simm.s32 @p2 $0x1082  }
0x22: {  	[simem:s7], [sflag:s8] =	dma.local @!p0 [hbm:s6], $0xF7A  }
0x23: {  	s9 =	sor.u32 $0xD0000000, s2;
	s6 =	simm.s32 $0x108;
	_ =	swait.ge @!p0 [sflag:s8], $0x0  }
0x24: {  	s3 =	sadd.s32 $0x88, s3;
	s6 =	simm.s32 @!p1 $0x1082;
	[sflag:s4] =	ssyncset.s32 $0xFFFFF086  }
0x25: {  	[simem:s6], [sflag:s4] =	dma.local [hbm:s3], $0xF7A  }
0x26: {  	[smem:$0x3F92] =	sst s1;
	(tag) =	ssettag s2;
	_ =	strace s9  }
0x27: {  	s1 =	sld [smem:$0x3FA2]  }
0x28: {  	s2 =	sld [smem:$0x3FA3]  }
0x29: {  	s4 =	sld [smem:$0x3FA5]  }
0x2a: {  	p0 =	seq.s32 s5, $0x0;
	s5 =	sld [smem:$0x3FA6]  }
0x2b: {  	s6 =	sld [smem:$0x3FA7]  }
0x2c: {  	s7 =	sld [smem:$0x3FA8]  }
0x2d: {  	s3 =	simm.s32 $0x108;
	s8 =	sld [smem:$0x3FA9]  }
0x2e: {  	s3 =	simm.s32 @!p0 $0x1082;
	s9 =	sld [smem:$0x3FAA]  }
0x2f: {  	lr =	sadd.s32 s0, s3;
	s0 =	sld [smem:$0x3FA1]  }
0x30: {  	s3 =	sld [smem:$0x3FA4]  }
0x31: {  	[smem:$0x3FAD] =	sst s10  }
0x32: {  	s10 =	sld [smem:$0x3FAB];
	_ =	sdelay $0x3  }
0x33: {  	p0 =	seq.s32 s10, $0x1;
	s10 =	sld [smem:$0x3FAD];
	_ =	sdelay $0x3  }
0x34: {  	[smem:$0x3FAD] =	sst s10  }
0x35: {  	s10 =	sld [smem:$0x3FAC];
	_ =	sdelay $0x3  }
0x36: {  	p1 =	seq.s32 s10, $0x1;
	s10 =	sld [smem:$0x3FAD];
	_ =	sdelay $0x3  }
0x37: {  	[smem:$0x3FAD] =	sst s10  }
0x38: {  	s10 =	sld [smem:$0x3FAE]  }
0x39: {  	_ = 	snop;
	(pc) =	sbr.ind lr, $3  }
0x3a: {  	_ = 	snop  }
0x3b: {  	_ = 	snop  }
0x3c: {  	p2 =	seq.s32 s10, $0x1;
	s10 =	sld [smem:$0x3FAD]  }
0x3d: {  	_ =	shalt  }
0x3e: {  	_ =	shalt  }
0x3f: {  	_ =	shalt  }
0x40: {  	_ =	shalt  }
0x41: {  	_ =	shalt  }
0x42: {  	_ =	shalt  }
0x43: {  	_ =	shalt  }
0x44: {  	_ =	shalt  }
0x45: {  	_ =	shalt  }
0x46: {  	_ =	shalt  }
0x47: {  	_ =	shalt  }
0x48: {  	_ =	shalt  }
0x49: {  	_ =	shalt  }
0x4a: {  	_ =	shalt  }
0x4b: {  	_ =	shalt  }
0x4c: {  	_ =	shalt  }
0x4d: {  	_ =	shalt  }
0x4e: {  	_ =	shalt  }
0x4f: {  	_ =	shalt  }
0x50: {  	_ =	shalt  }
0x51: {  	_ =	shalt  }
0x52: {  	_ =	shalt  }
0x53: {  	_ =	shalt  }
0x54: {  	_ =	shalt  }
0x55: {  	_ =	shalt  }
0x56: {  	_ =	shalt  }
0x57: {  	_ =	shalt  }
0x58: {  	_ =	shalt  }
0x59: {  	_ =	shalt  }
0x5a: {  	_ =	shalt  }
0x5b: {  	_ =	shalt  }
0x5c: {  	_ =	shalt  }
0x5d: {  	_ =	shalt  }
0x5e: {  	_ =	shalt  }
0x5f: {  	_ =	shalt  }
0x60: {  	_ =	shalt  }
0x61: {  	_ =	shalt  }
0x62: {  	_ =	shalt  }
0x63: {  	_ =	shalt  }
0x64: {  	_ =	shalt  }
0x65: {  	_ =	shalt  }
0x66: {  	_ =	shalt  }
0x67: {  	_ =	shalt  }
0x68: {  	_ =	shalt  }
0x69: {  	_ =	shalt  }
0x6a: {  	_ =	shalt  }
0x6b: {  	_ =	shalt  }
0x6c: {  	_ =	shalt  }
0x6d: {  	_ =	shalt  }
0x6e: {  	_ =	shalt  }
0x6f: {  	_ =	shalt  }
0x70: {  	_ =	shalt  }
0x71: {  	_ =	shalt  }
0x72: {  	_ =	shalt  }
0x73: {  	_ =	shalt  }
0x74: {  	_ =	shalt  }
0x75: {  	_ =	shalt  }
0x76: {  	_ =	shalt  }
0x77: {  	_ =	shalt  }
0x78: {  	_ =	shalt  }
0x79: {  	_ =	shalt  }
0x7a: {  	_ =	shalt  }
0x7b: {  	_ =	shalt  }
0x7c: {  	_ =	shalt  }
0x7d: {  	_ =	shalt  }
0x7e: {  	_ =	shalt  }
0x7f: {  	_ =	shalt  }
0x80: {  	_ =	shalt  }
0x81: {  	_ =	shalt  }
0x82: {  	_ =	shalt  }
0x83: {  	_ =	shalt  }
0x84: {  	_ =	shalt  }
0x85: {  	_ =	shalt  }
0x86: {  	_ =	shalt  }
0x87: {  	_ =	shalt  }
.Lfunc_end0:
.L_simem_size_0:
called_computation_lowered:
.L_overlay_start_0:
0x88: {  	s2 =	sld [smem:$0x3FD9]  }
0x89: {  	s3 =	sld [smem:$0x3FFE];
	_ =	sdelay $0x1  }
0x8a: {  	s1 =	srdreg.scid  }
0x8b: {  	s0 =	sand.u32 $0x1, s1  }
0x8c: {  	s17 =	sshll.u32 s0, $0xA;
	s2 =	sadd.s32 s3, s2  }
0x8d: {  	s2 =	sadd.s32 s2, s17  }
0x8e: {  	[smem:$0x3FB9] =	sst s2  }
0x8f: {  	_ = 	snop  }
0x90: {  	s2 =	sld [smem:$0x3FD0];
	(tm) =	ssettm $0x1  }
0x91: {  	s18 =	sld [smem:$0x3FFB];
	_ =	sdelay $0x3  }
0x92: {  	_ =	strace s18  }
0x93: {  	s3 =	sld [smem:$0x3FFC];
	_ =	sdelay $0x3  }
0x94: {  	_ =	strace s3  }
0x95: {  	s3 =	sld [smem:$0x3FFD];
	_ =	sdelay $0x3  }
0x96: {  	_ =	strace s3  }
0x97: {  	_ =	strace $0x8FFFFFFF  }
0x98: {  	s19 =	sld [smem:$0x3FDB];
	_ =	sdelay $0x1  }
0x99: {  	s4 =	simm.s32 $_scs_section_size  }
0x9a: {  	s5 =	simm.s32 $_size__tile_overlayer_lowered;
	s6 =	simm.s32 $_tile_overlayer_lowered  }
0x9b: {  	s22 =	simm.s32 $0x1BFF;
	s21 =	sshll.u32 s6, $0x1;
	s3 =	sadd.s32 s4, s19  }
0x9c: {  	s7 =	simm.s32 $0x0;
	s20 =	sshll.u32 s5, $0x1;
	s5 =	sadd.s32 s21, s3  }
0x9d: {  	[timem:s7], [sflag:s22] =	dma.local [hbm:s5], s20  }
0x9e: {  	_ =	swait.ge [sflag:s22], s20  }
0x9f: {  	s4 =	ssub.s32 $0x0, s20;
	[sflag:s22] =	ssyncset.done $0x0  }
0xa0: {  	[sflag:s22] =	ssyncadd.s32 s4;
	_ =	sdelay $0x1  }
0xa1: {  	s23 =	simm.s32 $0x1B8B  }
0xa2: {  	_ =	swait.ge [sflag:s23], $0x1  }
0xa3: {  	[sflag:s23] =	ssyncset.done $0x0  }
0xa4: {  	s25 =	simm.s32 $0x1B8E;
	s24 =	sld [smem:$0x3FFE];
	[sflag:s23] =	ssyncadd.s32 $0xFFFFFFFF  }
0xa5: {  	s26 =	simm.s32 $execute0_lowered;
	[smem:$0x3FD2] =	sst s25  }
0xa6: {  	s5 =	sshll.u32 s26, $0x1;
	_ =	strace $0x80000046;
	[dreg:$0x1] =	wrdreg $0xFFFFFFFF  }
0xa7: {  	s28 =	simm.s32 $_size_execute0_lowered;
	s3 =	sadd.s32 s3, s5;
	[dreg:$0x0] =	wrdreg $0x0  }
0xa8: {  	s5 =	sshll.u32 s28, $0x1;
	[dreg:$0x2] =	wrdreg s3  }
0xa9: {  	[dreg:$0x3] =	wrdreg s5  }
0xaa: {  	[dreg:$0x4] =	wrdreg $0xC0  }
0xab: {  	_ =	task [dreg:s7], $0x5FFFF  }
0xac: {  	[dreg:$0x1] =	wrdreg $0xFFFFFFFF  }
0xad: {  	[dreg:$0x0] =	wrdreg $0x60  }
0xae: {  	[dreg:$0x2] =	wrdreg s24  }
0xaf: {  	[dreg:$0x3] =	wrdreg s2  }
0xb0: {  	[dreg:$0x4] =	wrdreg $0xD0000  }
0xb1: {  	[dreg:$0x5] =	wrdreg $0x9  }
0xb2: {  	_ =	task.clear_ibuf [dreg:s7], $0x6FFFF;
	_ =	strace $0x90000046  }
0xb3: {  	s29 =	simm.s32 $0x9;
	_ =	strace $0x80000048  }
0xb4: {  	_ =	swait.ge [sflag:s29], $0x1  }
0xb5: {  	[sflag:s29] =	ssyncadd.s32 $0xFFFFFFFF  }
0xb6: {  	_ =	strace $0x90000048  }
0xb7: {  	_ =	sfence  }
0xb8: {  	s30 =	sld [smem:$0x0];
	_ =	sdelay $0x2  }
0xb9: {  	s31 =	sshll.u32 s1, $0xD;
	s1 =	sshrl.u32 s1, $0x2  }
0xba: {  	s3 =	sand.u32 $0x4000, s31;
	s1 =	sadd.s32 s1, s30  }
0xbb: {  	s0 =	sor.u32 s3, s0;
	s1 =	sshll.u32 s1, $0x11  }
0xbc: {  	s0 =	sor.u32 s1, s0  }
0xbd: {  	s0 =	sadd.s32 $0x8F2B, s0  }
0xbe: {  	[sflag:s0] =	ssyncadd.remote.s32 $0x1  }
0xbf: {  	_ =	sfence.sel $0xFFFF  }
0xc0: {  	[dreg:$0x0] =	wrdreg $0xFFFFFFFF;
	(pc) =	sbr.abs _section_cstart, $3  }
0xc1: {  	[dreg:$0x1] =	wrdreg $0xFFFFFFFF  }
0xc2: {  	_ =	task.clear_ibuf [dreg:s7], $0x2FFFF;
	_ =	strace $0x9FFFFFFF  }
0xc3: {  	(tm) =	ssettm $0x7FFFFFFF  }
tec
execute0_lowered:
.L_overlay_start_1:
0x0: {  	(tag) =	ssettag $0x1  }
0x1: {  	s0 =	rddreg [dreg:$0x0]  }
0x2: {  	s4 =	rddreg [dreg:$0x1]  }
0x3: {  	s1 =	rddreg [dreg:$0x2]  }
0x4: {  	s2 =	simm.s32 $0x0;
	s9 =	srdreg.scid;
	s21 =	stileid.u32  }
0x5: {  	s28 =	simm.s32 $0x5000;
	s29 =	simm.s32 $0x3;
	s30 =	simm.s32 $0x4  }
0x6: {  	s31 =	simm.s32 $0x0;
	[smem:$0x7FF] =	sst s2;
	s3 =	sadd.s32 $0x33600, s0  }
0x7: {  	s5 =	sadd.s32 $0x1FC00, s0;
	s6 =	sadd.s32 $0x15C00, s0;
	s7 =	sadd.s32 $0xBC00, s0  }
0x8: {  	s8 =	sadd.s32 $0x1C00, s0;
	s12 =	sand.u32 $0x1, s9;
	s14 =	smul.u32 $0x13800, s21  }
0x9: {  	s17 =	sshll.u32 s21, $0x1;
	s9 =	sadd.s32 $0x47000, s0;
	s23 =	smul.u32 $0xFFFFFF60, s21  }
0xa: {  	s20 =	sshll.u32 s21, $0x6;
	s13 =	sor.u32 s12, s17;
	s17 =	smul.u32 $0x138800, s12  }
0xb: {  	p0 =	sne.s32 s21, $0xF;
	s11 =	ssub.s32 $0x2, s12;
	s12 =	smul.u32 $0xFFFFFFB0, s12  }
0xc: {  	_ =	strace $0x80000047;
	s18 =	sshrl.u32 s11, $0x1;
	s10 =	smul.u32 $0x50, s13  }
0xd: {  	s19 =	sshrl.u32 s14, $0x1;
	s15 =	smul.u32 $0x500, s13;
	s0 =	ssub.s32 s11, s18  }
0xe: {  	s16 =	sadd.s32 s19, s1;
	s11 =	sor.u32 $0x1C05, s20;
	s18 =	sadd.s32 $0x9C000, s1  }
0xf: {  	s14 =	sadd.s32 s14, s17;
	s25 =	sshrl.u32 s17, $0x4;
	s12 =	sadd.s32 s23, s12  }
0x10: {  	s23 =	simm.s32 $0x400;
	s22 =	ssub.s32 $0x9C4, s10;
	[dreg:$0x4] =	wrdreg s18  }
0x11: {  	s19 =	sadd.s32 s6, s15;
	s24 =	sadd.s32 s7, s15;
	s15 =	sadd.s32 s8, s15  }
0x12: {  	s14 =	sshrl.u32 s14, $0x4;
	s12 =	sadd.s32 $0x9C4, s12;
	[dreg:$0x5] =	wrdreg s19  }
.Ltmp0:
0x13: {  	s20 =	smax.u32 s0, $0x1;
	[dreg:$0x6] =	wrdreg s24;
	(pc) =	sbr.rel .LBB2_1-.Ltmp0, $4  }
0x14: {  	s21 =	sshrl.u32 s16, $0x3;
	s13 =	smin.u32 s22, $0x50;
	[dreg:$0x7] =	wrdreg s15  }
0x15: {  	s15 =	sadd.s32 s4, s25;
	s4 =	sadd.s32 s4, s14;
	s19 =	smin.u32 s12, $0x50  }
0x16: {  	s22 =	simm.s32 $0x5;
	[dreg:$0x8] =	wrdreg s4;
	s26 =	sadd.s32 $0x13800, s15  }
0x17: {  	s25 =	simm.s32 $0x80;
	[dreg:$0x9] =	wrdreg s26;
	s26 =	simm.s32 $0x1000  }
.LBB2_10:
0x18: {  	_ =	swait.ge [sflag:s29], $0x2000  }
0x19: {  	[sflag:s29] =	ssyncset.done $0x0  }
0x1a: {  	[sflag:s29] =	ssyncadd.s32 $0xFFFFE000  }
0x1b: {  	_ =	swait.ge [sflag:s30], $0x2000  }
0x1c: {  	[sflag:s30] =	ssyncset.done $0x0  }
0x1d: {  	[sflag:s30] =	ssyncadd.s32 $0xFFFFE000  }
0x1e: {  	[bflag:$0x0] =	sbarrier.arrive $0xFFFF  }
0x1f: {  	s4 =	rddreg [dreg:$0x8]  }
0x20: {  	[hbm:s4], [sflag:s11] =	dma.local [spmem:s21], $0x1380  }
0x21: {  	_ =	swait.ge [sflag:s22], $0x1380  }
0x22: {  	s31 =	sadd.s32 $0x1, s31;
	[sflag:s22] =	ssyncset.done $0x0  }
0x23: {  	p1 =	sne.s32 s31, s20;
	s4 =	rddreg [dreg:$0x9];
	[sflag:s22] =	ssyncadd.s32 $0xFFFFEC80  }
0x24: {  	[hbm:s4], [sflag:s11] =	dma.local @!p0 [spmem:s0], $0x80  }
.Ltmp1:
0x25: {  	_ = 	snop;
	(pc) =	sbr.rel @!p1 .LBB2_11-.Ltmp1, $4  }
0x26: {  	s0 =	simm.s32 @!p0 $0x5  }
0x27: {  	_ =	swait.ge @!p0 [sflag:s0], $0x80  }
0x28: {  	[sflag:s0] =	ssyncset.done @!p0 $0x0  }
0x29: {  	[sflag:s0] =	ssyncadd.s32 @!p0 $0xFFFFFF80  }
.LBB2_1:
0x2a: {  	[spmem:s21], [sflag:s11] =	dma.local [hbm:s9], $0x1380  }
0x2b: {  	_ =	swait.ge [sflag:s22], $0x1380  }
0x2c: {  	[sflag:s22] =	ssyncset.done $0x0;
	s0 =	rddreg [dreg:$0x4]  }
0x2d: {  	s4 =	simm.s32 @!p0 $0x5;
	[sflag:s22] =	ssyncadd.s32 $0xFFFFEC80;
	s0 =	sshrl.u32 @!p0 s0, $0x3  }
0x2e: {  	[spmem:s0], [sflag:s11] =	dma.local @!p0 [hbm:s9], $0x80  }
0x2f: {  	_ =	swait.ge @!p0 [sflag:s4], $0x80  }
0x30: {  	[sflag:s4] =	ssyncset.done @!p0 $0x0  }
0x31: {  	[sflag:s4] =	ssyncadd.s32 @!p0 $0xFFFFFF80  }
0x32: {  	[bflag:$0x0] =	sbarrier.arrive $0xFFFF  }
0x33: {  	s17 =	rddreg [dreg:$0x5]  }
0x34: {  	[tilespmem:s2], [sflag:$0x5] =	stream.linear.gather [hbm4b:s17+s2], $0x400, $0x38;
	[tilespmem:$0x16C40] =	vst v63  }
0x35: {  	_ =	swait.ge [sflag:s22], $0x400  }
0x36: {  	[sflag:s22] =	ssyncset.done $0x0  }
0x37: {  	s18 =	rddreg [dreg:$0x6];
	[sflag:s22] =	ssyncadd.s32 $0xFFFFFC00  }
0x38: {  	[tilespmem:s23], [sflag:$0x5] =	stream.linear.gather [hbm4b:s18+s2], $0x400, $0x38;
	[tilespmem:$0x16C40] =	vst v63  }
0x39: {  	_ =	swait.ge [sflag:s22], $0x400  }
0x3a: {  	[sflag:s22] =	ssyncset.done $0x0  }
0x3b: {  	s12 =	simm.s32 $0x800;
	s24 =	rddreg [dreg:$0x7];
	[sflag:s22] =	ssyncadd.s32 $0xFFFFFC00  }
0x3c: {  	[tilespmem:s12], [sflag:$0x5] =	stream.linear.gather [hbm4b:s24+s2], $0x400, $0x38;
	[tilespmem:$0x16C40] =	vst v63  }
0x3d: {  	_ =	swait.ge [sflag:s22], $0x400  }
0x3e: {  	[sflag:s22] =	ssyncset.done $0x0  }
0x3f: {  	[sflag:s22] =	ssyncadd.s32 $0xFFFFFC00  }
0x40: {  	[tilespmem:s26], [sflag:$0x1] =	stream.indirect.gather [hbm4b:s3+s25], $0x40, s2, s25, $0xb8;
	[tilespmem:$0x16C40] =	vst v63  }
0x41: {  	s4 =	simm.s32 $0x0  }
0x42: {  	[tilespmem:s28], [sflag:$0x1] =	stream.indirect.gather [hbm4b:s5+s25], $0x40, s23, s25, $0xb8;
	[tilespmem:$0x16C40] =	vst v63  }
.LBB2_2:
0x43: {  	s24 =	sadd.s32 $0x1, s4  }
0x44: {  	p1 =	sge.u32 s24, s13  }
.Ltmp2:
0x45: {  	_ = 	snop;
	(pc) =	sbr.rel @p1 .LBB2_6-.Ltmp2, $1  }
0x46: {  	_ =	sdelay $0x3  }
0x47: {  	s12 =	sand.u32 $0x7, s24  }
0x48: {  	p1 =	sne.s32 s12, $0x0  }
.Ltmp3:
0x49: {  	_ = 	snop;
	(pc) =	sbr.rel @!p1 .LBB2_4-.Ltmp3, $1  }
0x4a: {  	_ =	sdelay $0x3  }
0x4b: {  	s14 =	sand.u32 $0x1, s24  }
0x4c: {  	s15 =	sshll.u32 s14, $0xD  }
0x4d: {  	s12 =	sshll.u32 s12, $0x7;
	s14 =	sadd.s32 $0x1, s14;
	s16 =	sor.u32 $0x1000, s15  }
0x4e: {  	[tilespmem:s16], [sflag:s14] =	stream.indirect.gather [hbm4b:s3+s25], $0x40, s12, s25, $0xb8;
	[tilespmem:$0x16C40] =	vst v63  }
0x4f: {  	s15 =	sor.u32 $0x5000, s15;
	s12 =	sor.u32 $0x400, s12  }
0x50: {  	[tilespmem:s15], [sflag:s14] =	stream.indirect.gather [hbm4b:s5+s25], $0x40, s12, s25, $0xb8;
	[tilespmem:$0x16C40] =	vst v63  }
.LBB2_6:
0x51: {  	s12 =	sand.u32 $0x1, s4  }
0x52: {  	s12 =	sadd.s32 $0x1, s12  }
0x53: {  	_ =	swait.ge [sflag:s12], $0x2000  }
0x54: {  	[sflag:s12] =	ssyncset.done $0x0  }
0x55: {  	[sflag:s12] =	ssyncadd.s32 $0xFFFFE000  }
0x56: {  	_ =	swait.ge [sflag:s12], $0x2000  }
0x57: {  	[sflag:s12] =	ssyncset.done $0x0  }
0x58: {  	[sflag:s12] =	ssyncadd.s32 $0xFFFFE000  }
.LBB2_7:
0x59: {  	p1 =	slt.u32 s4, $0x2  }
0x5a: {  	s12 =	sand.u32 @!p1 $0x1, s4  }
0x5b: {  	s15 =	sadd.s32 @!p1 $0x3, s12;
	s12 =	smov.u32 @p1 s4  }
0x5c: {  	_ =	swait.ge @!p1 [sflag:s15], $0x2000;
	s14 =	sshll.u32 s12, $0xD  }
0x5d: {  	[sflag:s15] =	ssyncset.done @!p1 $0x0;
	s14 =	sand.u32 $0x3FFFE000, s14  }
0x5e: {  	[sflag:s15] =	ssyncadd.s32 @!p1 $0xFFFFE000;
	s18 =	sor.u32 $0x1100, s14  }
0x5f: {  	s16 =	sadd.s32 $0x5100, s14;
	v0 =	vld [tilespmem:s18+$0xC0]  }
0x60: {  	v1 =	vld [tilespmem:s16+$0xC0]  }
0x61: {  	v2 =	vld [tilespmem:s16+$0xFFFFFF00]  }
0x62: {  	v3 =	vld [tilespmem:s18+$0xFFFFFF40]  }
0x63: {  	v4 =	vld [tilespmem:s16+$0xFFFFFF40]  }
0x64: {  	v5 =	vld [tilespmem:s18+$0xFFFFFF80]  }
0x65: {  	v6 =	vld [tilespmem:s16+$0xFFFFFF80]  }
0x66: {  	v7 =	vld [tilespmem:s16+$0xFFFFFFC0]  }
0x67: {  	v9 =	vld [tilespmem:s18+$0x0]  }
0x68: {  	v10 =	vld [tilespmem:s16+$0x0]  }
0x69: {  	v11 =	vld [tilespmem:s18+$0x40]  }
0x6a: {  	v12 =	vld [tilespmem:s16+$0x40];
	v0 =	vmul.bf16 v1, v0  }
0x6b: {  	s15 =	sadd.s32 $0x9100, s14;
	v1 =	vld [tilespmem:s18+$0xFFFFFFC0]  }
0x6c: {  	v3 =	vmul.bf16 v4, v3;
	v4 =	vld [tilespmem:s18+$0xFFFFFF00];
	[tilespmem:s15+$0xC0] =	vst v0  }
0x6d: {  	v0 =	vld [tilespmem:s18+$0xD0]  }
0x6e: {  	v8 =	vld [tilespmem:s16+$0xD0]  }
0x6f: {  	v13 =	vld [tilespmem:s18+$0x80];
	[tilespmem:s15+$0xFFFFFF40] =	vst v3;
	v3 =	vmul.bf16 v6, v5  }
0x70: {  	v6 =	vld [tilespmem:s18+$0xFFFFFF50]  }
0x71: {  	[tilespmem:s15+$0xFFFFFF80] =	vst v3;
	v3 =	vld [tilespmem:s16+$0xFFFFFF50];
	v1 =	vmul.bf16 v7, v1  }
0x72: {  	v2 =	vmul.bf16 v2, v4;
	v4 =	vld [tilespmem:s18+$0xFFFFFF90]  }
0x73: {  	[tilespmem:s15+$0xFFFFFFC0] =	vst v1;
	v1 =	vld [tilespmem:s16+$0xFFFFFF90];
	v0 =	vmul.bf16 v8, v0  }
0x74: {  	[tilespmem:s15+$0xFFFFFF00] =	vst v2;
	v2 =	vld [tilespmem:s18+$0xFFFFFFD0]  }
0x75: {  	v54 =	vld [tilespmem:s16+$0xFFFFFFD0];
	[tilespmem:s15+$0xD0] =	vst v0  }
0x76: {  	v3 =	vmul.bf16 v3, v6;
	v0 =	vld [tilespmem:s18+$0xE0]  }
0x77: {  	v5 =	vld [tilespmem:s16+$0xE0]  }
0x78: {  	v8 =	vld [tilespmem:s16+$0x80];
	[tilespmem:s15+$0xFFFFFF50] =	vst v3;
	v1 =	vmul.bf16 v1, v4  }
0x79: {  	v4 =	vld [tilespmem:s18+$0xFFFFFF60]  }
0x7a: {  	[tilespmem:s15+$0xFFFFFF90] =	vst v1;
	v1 =	vmul.bf16 v54, v2;
	v2 =	vld [tilespmem:s16+$0xFFFFFF60]  }
0x7b: {  	v7 =	vld [tilespmem:s16+$0xFFFFFF10]  }
0x7c: {  	v57 =	vld [tilespmem:s18+$0xFFFFFFA0];
	v0 =	vmul.bf16 v5, v0  }
0x7d: {  	v5 =	vld [tilespmem:s18+$0xFFFFFF10];
	[tilespmem:s15+$0xFFFFFFD0] =	vst v1  }
0x7e: {  	v58 =	vld [tilespmem:s18+$0xFFFFFFE0];
	[tilespmem:s15+$0xE0] =	vst v0;
	v0 =	vmul.bf16 v10, v9  }
0x7f: {  	v52 =	vld [tilespmem:s18+$0xF0];
	v2 =	vmul.bf16 v2, v4  }
0x80: {  	v53 =	vld [tilespmem:s16+$0xF0];
	[tilespmem:s15+$0x0] =	vst v0;
	v0 =	vmul.bf16 v12, v11  }
0x81: {  	v55 =	vld [tilespmem:s18+$0x10];
	[tilespmem:s15+$0xFFFFFF60] =	vst v2  }
0x82: {  	[tilespmem:s15+$0x40] =	vst v0;
	v0 =	vmul.bf16 v8, v13;
	v8 =	vld [tilespmem:s16+$0x10]  }
0x83: {  	v60 =	vld [tilespmem:s18+$0xFFFFFF70]  }
0x84: {  	v56 =	vld [tilespmem:s18+$0x50]  }
0x85: {  	[tilespmem:s15+$0x80] =	vst v0;
	v0 =	vmul.bf16 v7, v5;
	v5 =	vld [tilespmem:s16+$0x50]  }
0x86: {  	v7 =	vld [tilespmem:s18+$0x90]  }
0x87: {  	[tilespmem:s15+$0xFFFFFF10] =	vst v0;
	v0 =	vld [tilespmem:s16+$0x90]  }
0x88: {  	v6 =	vld [tilespmem:s18+$0xFFFFFF20]  }
0x89: {  	v3 =	vld [tilespmem:s16+$0xFFFFFF20];
	v1 =	vmul.bf16 v8, v55  }
0x8a: {  	v8 =	vld [tilespmem:s16+$0xFFFFFFA0]  }
0x8b: {  	[tilespmem:s15+$0x10] =	vst v1;
	v1 =	vmul.bf16 v5, v56;
	v5 =	vld [tilespmem:s16+$0xFFFFFFE0]  }
0x8c: {  	v59 =	vld [tilespmem:s18+$0x20]  }
0x8d: {  	[tilespmem:s15+$0x50] =	vst v1;
	v0 =	vmul.bf16 v0, v7;
	v1 =	vld [tilespmem:s16+$0x20]  }
0x8e: {  	v7 =	vld [tilespmem:s18+$0x60]  }
0x8f: {  	v3 =	vmul.bf16 v3, v6;
	[tilespmem:s15+$0x90] =	vst v0;
	v0 =	vld [tilespmem:s16+$0x60]  }
0x90: {  	v2 =	vmul.bf16 v8, v57;
	v6 =	vld [tilespmem:s18+$0xA0]  }
0x91: {  	[tilespmem:s15+$0xFFFFFF20] =	vst v3;
	v3 =	vld [tilespmem:s16+$0xA0]  }
0x92: {  	[tilespmem:s15+$0xFFFFFFA0] =	vst v2;
	v2 =	vmul.bf16 v5, v58;
	v5 =	vld [tilespmem:s16+$0xFFFFFF70]  }
0x93: {  	v4 =	vld [tilespmem:s18+$0xFFFFFF30]  }
0x94: {  	v8 =	vld [tilespmem:s16+$0xFFFFFF30]  }
0x95: {  	v61 =	vld [tilespmem:s18+$0xFFFFFFB0]  }
0x96: {  	v62 =	vld [tilespmem:s16+$0xFFFFFFB0];
	[tilespmem:s15+$0xFFFFFFE0] =	vst v2;
	v1 =	vmul.bf16 v1, v59  }
0x97: {  	v2 =	vmul.bf16 v53, v52;
	v63 =	vld [tilespmem:s18+$0xFFFFFFF0]  }
0x98: {  	[tilespmem:s15+$0x20] =	vst v1;
	v1 =	vmul.bf16 v0, v7;
	v7 =	vld [tilespmem:s16+$0xFFFFFFF0]  }
0x99: {  	[tilespmem:s15+$0xF0] =	vst v2;
	v3 =	vmul.bf16 v3, v6;
	v0 =	vld [tilespmem:s18+$0x30]  }
0x9a: {  	v2 =	vld [tilespmem:s16+$0x30];
	[tilespmem:s15+$0x60] =	vst v1;
	v4 =	vmul.bf16 v8, v4  }
0x9b: {  	[tilespmem:s15+$0xA0] =	vst v3;
	v3 =	vmul.bf16 v5, v60;
	v1 =	vld [tilespmem:s18+$0x70]  }
0x9c: {  	v5 =	vmul.bf16 v62, v61;
	[tilespmem:s15+$0xFFFFFF30] =	vst v4;
	v4 =	vld [tilespmem:s16+$0x70]  }
0x9d: {  	[tilespmem:s15+$0xFFFFFF70] =	vst v3;
	v3 =	vld [tilespmem:s18+$0xB0];
	v6 =	vmul.bf16 v7, v63  }
0x9e: {  	s17 =	simm.s32 $0x0;
	[tilespmem:s15+$0xFFFFFFB0] =	vst v5;
	v5 =	vld [tilespmem:s16+$0xB0];
	s18 =	sadd.s32 $0x200, s18  }
.LBB2_8:
0x9f: {  	v7 =	vld [tilespmem:s18+$0xC0];
	[tilespmem:s15+$0xFFFFFFF0] =	vst v6;
	v0 =	vmul.bf16 v2, v0;
	s16 =	sadd.s32 $0x200, s16  }
0xa0: {  	v2 =	vld [tilespmem:s16+$0xC0]  }
0xa1: {  	v6 =	vld [tilespmem:s16+$0xFFFFFF00];
	[tilespmem:s15+$0x30] =	vst v0;
	v0 =	vmul.bf16 v4, v1  }
0xa2: {  	v1 =	vld [tilespmem:s18+$0xFFFFFF40]  }
0xa3: {  	s17 =	sadd.s32 $0x8, s17;
	v4 =	vld [tilespmem:s16+$0xFFFFFF40];
	[tilespmem:s15+$0x70] =	vst v0;
	v0 =	vmul.bf16 v5, v3  }
0xa4: {  	p1 =	slt.u32 s17, $0x78;
	v3 =	vld [tilespmem:s18+$0xFFFFFF80]  }
0xa5: {  	v5 =	vld [tilespmem:s16+$0xFFFFFF80];
	v2 =	vmul.bf16 v2, v7;
	[tilespmem:s15+$0xB0] =	vst v0  }
0xa6: {  	s15 =	sadd.s32 $0x200, s15;
	v0 =	vld [tilespmem:s18+$0xFFFFFFC0]  }
0xa7: {  	v7 =	vld [tilespmem:s16+$0xFFFFFFC0];
	[tilespmem:s15+$0xC0] =	vst v2  }
0xa8: {  	v1 =	vmul.bf16 v4, v1;
	v2 =	vld [tilespmem:s18+$0xD0]  }
0xa9: {  	v4 =	vld [tilespmem:s16+$0xD0]  }
0xaa: {  	[tilespmem:s15+$0xFFFFFF40] =	vst v1;
	v1 =	vmul.bf16 v5, v3;
	v3 =	vld [tilespmem:s18+$0x0]  }
0xab: {  	v5 =	vld [tilespmem:s16+$0x0]  }
0xac: {  	[tilespmem:s15+$0xFFFFFF80] =	vst v1;
	v0 =	vmul.bf16 v7, v0;
	v1 =	vld [tilespmem:s18+$0x40]  }
0xad: {  	v7 =	vld [tilespmem:s16+$0x40]  }
0xae: {  	[tilespmem:s15+$0xFFFFFFC0] =	vst v0;
	v0 =	vld [tilespmem:s18+$0x80];
	v2 =	vmul.bf16 v4, v2  }
0xaf: {  	v4 =	vld [tilespmem:s16+$0x80]  }
0xb0: {  	v8 =	vld [tilespmem:s18+$0xFFFFFF00];
	v3 =	vmul.bf16 v5, v3;
	[tilespmem:s15+$0xD0] =	vst v2  }
0xb1: {  	v2 =	vld [tilespmem:s18+$0xE0]  }
0xb2: {  	[tilespmem:s15+$0x0] =	vst v3;
	v1 =	vmul.bf16 v7, v1;
	v3 =	vld [tilespmem:s16+$0xE0]  }
0xb3: {  	v5 =	vld [tilespmem:s18+$0xFFFFFF50]  }
0xb4: {  	v7 =	vld [tilespmem:s16+$0xFFFFFF50];
	[tilespmem:s15+$0x40] =	vst v1;
	v0 =	vmul.bf16 v4, v0  }
0xb5: {  	v1 =	vmul.bf16 v6, v8;
	v4 =	vld [tilespmem:s18+$0xFFFFFF90]  }
0xb6: {  	v6 =	vld [tilespmem:s16+$0xFFFFFF90];
	[tilespmem:s15+$0x80] =	vst v0  }
0xb7: {  	[tilespmem:s15+$0xFFFFFF00] =	vst v1;
	v0 =	vld [tilespmem:s18+$0xFFFFFFD0];
	v1 =	vmul.bf16 v3, v2  }
0xb8: {  	v2 =	vld [tilespmem:s18+$0xFFFFFF10]  }
0xb9: {  	v3 =	vld [tilespmem:s16+$0xFFFFFF10];
	v5 =	vmul.bf16 v7, v5;
	[tilespmem:s15+$0xE0] =	vst v1  }
0xba: {  	v1 =	vld [tilespmem:s18+$0xF0]  }
0xbb: {  	[tilespmem:s15+$0xFFFFFF50] =	vst v5;
	v4 =	vmul.bf16 v6, v4;
	v5 =	vld [tilespmem:s16+$0xF0]  }
0xbc: {  	v6 =	vld [tilespmem:s16+$0xFFFFFFD0]  }
0xbd: {  	[tilespmem:s15+$0xFFFFFF90] =	vst v4;
	v4 =	vld [tilespmem:s18+$0x10]  }
0xbe: {  	v2 =	vmul.bf16 v3, v2;
	v3 =	vld [tilespmem:s16+$0x10]  }
0xbf: {  	v7 =	vld [tilespmem:s18+$0x50]  }
0xc0: {  	[tilespmem:s15+$0xFFFFFF10] =	vst v2;
	v2 =	vld [tilespmem:s16+$0x50];
	v1 =	vmul.bf16 v5, v1  }
0xc1: {  	v0 =	vmul.bf16 v6, v0;
	v5 =	vld [tilespmem:s18+$0x90]  }
0xc2: {  	v6 =	vld [tilespmem:s16+$0x90];
	[tilespmem:s15+$0xF0] =	vst v1  }
0xc3: {  	v1 =	vld [tilespmem:s18+$0xFFFFFF20];
	[tilespmem:s15+$0xFFFFFFD0] =	vst v0;
	v0 =	vmul.bf16 v3, v4  }
0xc4: {  	v3 =	vld [tilespmem:s16+$0xFFFFFF20]  }
0xc5: {  	v4 =	vld [tilespmem:s18+$0xFFFFFF60];
	[tilespmem:s15+$0x10] =	vst v0;
	v0 =	vmul.bf16 v2, v7  }
0xc6: {  	v2 =	vld [tilespmem:s16+$0xFFFFFF60]  }
0xc7: {  	v7 =	vld [tilespmem:s18+$0xFFFFFFA0];
	[tilespmem:s15+$0x50] =	vst v0;
	v0 =	vmul.bf16 v6, v5  }
0xc8: {  	v5 =	vld [tilespmem:s16+$0xFFFFFFA0]  }
0xc9: {  	v1 =	vmul.bf16 v3, v1;
	v3 =	vld [tilespmem:s18+$0xFFFFFFE0];
	[tilespmem:s15+$0x90] =	vst v0  }
0xca: {  	v0 =	vld [tilespmem:s16+$0xFFFFFFE0]  }
0xcb: {  	[tilespmem:s15+$0xFFFFFF20] =	vst v1;
	v1 =	vmul.bf16 v2, v4;
	v2 =	vld [tilespmem:s18+$0x20]  }
0xcc: {  	v4 =	vld [tilespmem:s16+$0x20]  }
0xcd: {  	[tilespmem:s15+$0xFFFFFF60] =	vst v1;
	v1 =	vmul.bf16 v5, v7;
	v5 =	vld [tilespmem:s18+$0x60]  }
0xce: {  	v6 =	vld [tilespmem:s16+$0x60]  }
0xcf: {  	[tilespmem:s15+$0xFFFFFFA0] =	vst v1;
	v0 =	vmul.bf16 v0, v3;
	v1 =	vld [tilespmem:s18+$0xA0]  }
0xd0: {  	v3 =	vld [tilespmem:s16+$0xA0]  }
0xd1: {  	v7 =	vld [tilespmem:s18+$0xFFFFFF30];
	[tilespmem:s15+$0xFFFFFFE0] =	vst v0;
	v0 =	vmul.bf16 v4, v2  }
0xd2: {  	v2 =	vld [tilespmem:s16+$0xFFFFFF30]  }
0xd3: {  	v4 =	vld [tilespmem:s18+$0xFFFFFF70];
	[tilespmem:s15+$0x20] =	vst v0;
	v0 =	vmul.bf16 v6, v5  }
0xd4: {  	v5 =	vld [tilespmem:s16+$0xFFFFFF70]  }
0xd5: {  	v6 =	vld [tilespmem:s18+$0xFFFFFFB0];
	[tilespmem:s15+$0x60] =	vst v0;
	v0 =	vmul.bf16 v3, v1  }
0xd6: {  	v1 =	vld [tilespmem:s16+$0xFFFFFFB0]  }
0xd7: {  	v2 =	vmul.bf16 v2, v7;
	v3 =	vld [tilespmem:s18+$0xFFFFFFF0];
	[tilespmem:s15+$0xA0] =	vst v0  }
0xd8: {  	v7 =	vld [tilespmem:s16+$0xFFFFFFF0]  }
0xd9: {  	[tilespmem:s15+$0xFFFFFF30] =	vst v2;
	v4 =	vmul.bf16 v5, v4;
	v0 =	vld [tilespmem:s18+$0x30]  }
.Ltmp4:
0xda: {  	v2 =	vld [tilespmem:s16+$0x30];
	(pc) =	sbr.rel @p1 .LBB2_8-.Ltmp4, $4  }
0xdb: {  	[tilespmem:s15+$0xFFFFFF70] =	vst v4;
	v5 =	vmul.bf16 v1, v6;
	v1 =	vld [tilespmem:s18+$0x70]  }
0xdc: {  	v4 =	vld [tilespmem:s16+$0x70]  }
0xdd: {  	[tilespmem:s15+$0xFFFFFFB0] =	vst v5;
	v6 =	vmul.bf16 v7, v3;
	v3 =	vld [tilespmem:s18+$0xB0]  }
0xde: {  	s18 =	sadd.s32 $0x200, s18;
	v5 =	vld [tilespmem:s16+$0xB0]  }
0xdf: {  	_ =	sdelay $0x1  }
0xe0: {  	v0 =	vmul.bf16 v2, v0  }
0xe1: {  	[tilespmem:s15+$0xFFFFFFF0] =	vst v6;
	p1 =	sne.s32 s24, s19;
	v1 =	vmul.bf16 v4, v1  }
.Ltmp5:
0xe2: {  	s4 =	sshll.u32 s4, $0x7;
	[tilespmem:s15+$0x30] =	vst v0;
	v63 =	vmul.bf16 v5, v3;
	(pc) =	sbr.rel @p1 .LBB2_2-.Ltmp5, $4  }
.Ltmp6:
0xe3: {  	s4 =	sand.u32 $0x780, s4;
	[tilespmem:s15+$0x70] =	vst v1;
	(pc) =	sbr.rel @!p1 .LBB2_10-.Ltmp6, $4  }
0xe4: {  	s14 =	sadd.s32 $0x9000, s14;
	s12 =	sadd.s32 $0x3, s12;
	s4 =	sor.u32 $0x800, s4;
	[tilespmem:s15+$0xB0] =	vst v63  }
0xe5: {  	[spmem:s1] =	stream.indirect.scatter.add.bf16 [tilespmem:s14], [sflag:s12], $0x40, s4, s25, $0xb8;
	[tilespmem:$0x16C40] =	vst v63  }
0xe6: {  	s4 =	smov.u32 s24  }
0xe7: {  	_ = 	snop  }
.LBB2_4:
0xe8: {  	s12 =	sand.u32 $0x1, s4  }
0xe9: {  	s12 =	sadd.s32 $0x1, s12  }
0xea: {  	_ =	swait.ge [sflag:s12], $0x2000  }
0xeb: {  	[sflag:s12] =	ssyncset.done $0x0  }
0xec: {  	s14 =	sadd.s32 s10, s24;
	[sflag:s12] =	ssyncadd.s32 $0xFFFFE000  }
0xed: {  	s14 =	sshll.u32 s14, $0x4;
	_ =	swait.ge [sflag:s12], $0x2000  }
0xee: {  	s14 =	sand.u32 $0x1FFFFF80, s14;
	[sflag:s12] =	ssyncset.done $0x0  }
0xef: {  	s16 =	sadd.s32 s6, s14;
	[sflag:s12] =	ssyncadd.s32 $0xFFFFE000  }
0xf0: {  	[tilespmem:s2], [sflag:$0x5] =	stream.linear.gather [hbm4b:s16+s2], $0x400, $0x38;
	[tilespmem:$0x16C40] =	vst v63  }
0xf1: {  	_ =	swait.ge [sflag:s22], $0x400  }
0xf2: {  	[sflag:s22] =	ssyncset.done $0x0  }
0xf3: {  	s17 =	sadd.s32 s7, s14;
	[sflag:s22] =	ssyncadd.s32 $0xFFFFFC00  }
0xf4: {  	[tilespmem:s23], [sflag:$0x5] =	stream.linear.gather [hbm4b:s17+s2], $0x400, $0x38;
	[tilespmem:$0x16C40] =	vst v63  }
0xf5: {  	s18 =	sshll.u32 s24, $0x7;
	_ =	swait.ge [sflag:s22], $0x400  }
0xf6: {  	s12 =	sand.u32 $0x400, s18;
	[sflag:s22] =	ssyncset.done $0x0  }
0xf7: {  	s14 =	sadd.s32 s8, s14;
	s12 =	sor.u32 $0x800, s12;
	[sflag:s22] =	ssyncadd.s32 $0xFFFFFC00  }
0xf8: {  	[tilespmem:s12], [sflag:$0x5] =	stream.linear.gather [hbm4b:s14+s2], $0x400, $0x38;
	[tilespmem:$0x16C40] =	vst v63  }
0xf9: {  	_ =	swait.ge [sflag:s22], $0x400  }
.Ltmp7:
0xfa: {  	[sflag:s22] =	ssyncset.done $0x0;
	(pc) =	sbr.rel .LBB2_7-.Ltmp7, $4  }
0xfb: {  	[sflag:s22] =	ssyncadd.s32 $0xFFFFFC00  }
0xfc: {  	[tilespmem:s26], [sflag:$0x1] =	stream.indirect.gather [hbm4b:s3+s25], $0x40, s2, s25, $0xb8;
	[tilespmem:$0x16C40] =	vst v63  }
0xfd: {  	_ = 	snop  }
0xfe: {  	[tilespmem:s28], [sflag:$0x1] =	stream.indirect.gather [hbm4b:s5+s25], $0x40, s23, s25, $0xb8;
	[tilespmem:$0x16C40] =	vst v63  }
.LBB2_11:
0xff: {  	_ =	sfence.sel $0x180000  }
0x100: {  	[bflag:$0x0] =	sbarrier.arrive $0xFFFF  }
0x101: {  	_ =	strace $0x90000047  }
0x102: {  	s0 =	stileid.u32;
	[bflag:$0x2] =	sbarrier.arrive $0xFFFF  }
0x103: {  	p0 =	sne.s32 s0, $0x0;
	s0 =	rddreg [dreg:$0x3]  }
0x104: {  	s0 =	sadd.s32 @!p0 $0x100000, s0  }
0x105: {  	[sflag:s0] =	ssyncadd.tile.s32 @!p0 $0x1;
	_ =	shalt  }
.Lfunc_end2:
_tile_overlayer_lowered:
.L_overlay_start_2:
0x106: {  	(tag) =	ssettag $0x2  }
0x107: {  	s0 =	rddreg [dreg:$0x0];
	s2 =	stileid.u32  }
0x108: {  	s1 =	rddreg [dreg:$0x1];
	p0 =	sne.s32 s2, $0x0  }
0x109: {  	s3 =	rddreg [dreg:$0x2];
	[bflag:$0x3] =	sbarrier.arrive $0xFFFF;
	s2 =	simm.s32 @!p0 $0x1C05  }
0x10a: {  	[timem:s3], [sflag:s2] =	dma.local @!p0 [hbm:s0], s1  }
0x10b: {  	s0 =	simm.s32 @!p0 $0x5  }
0x10c: {  	_ =	swait.ge @!p0 [sflag:s0], s1  }
0x10d: {  	s1 =	ssub.s32 @!p0 $0x0, s1;
	[sflag:s0] =	ssyncset.done @!p0 $0x0  }
0x10e: {  	[sflag:s0] =	ssyncadd.s32 @!p0 s1  }
0x10f: {  	[bflag:$0x3] =	sbarrier.arrive $0xFFFF  }
0x110: {  	_ =	shalt  }

</sc_bundles>
